<compile_context>
chip_gen: v7x
topology: tpu7x:2x2x1
jax: 0.10.2.dev20260603
libtpu: 0.0.44.dev20260713+nightly
codegen_flags: <defaults>
</compile_context>

<pallas_src>
import functools

import jax
import jax.numpy as jnp
from jax import lax
from jax.experimental import pallas as pl
from jax.experimental.pallas import tpu as pltpu
from jax.experimental.pallas import tpu_sc as plsc

N = 4096
D = 512
K = 2048

_CHUNKS = (768, 768, 512)

_NC, _NS = 2, 16
_NW = _NC * _NS
_CH = 8


def _gather_body(a_hbm, idx_hbm, out_hbm, idx_v, buf0, buf1,
                 gsem0, gsem1, wsem0, wsem1, *, chunk_off, bpw, nsub):
    wid = lax.axis_index("s") * _NC + lax.axis_index("c")
    base = wid * bpw
    pltpu.sync_copy(idx_hbm.at[pl.ds(chunk_off + base, bpw)], idx_v)
    bufs = (buf0, buf1)
    gsems = (gsem0, gsem1)
    wsems = (wsem0, wsem1)
    gpend = [None, None]
    wpend = [None, None]
    gpend[0] = pltpu.async_copy(
        a_hbm.at[idx_v.at[pl.ds(0, _CH)]], bufs[0], gsems[0])
    for c in range(nsub):
        slot = c % 2
        nxt = (c + 1) % 2
        gpend[slot].wait()
        if c + 1 < nsub:
            if wpend[nxt] is not None:
                wpend[nxt].wait()
                wpend[nxt] = None
            gpend[nxt] = pltpu.async_copy(
                a_hbm.at[idx_v.at[pl.ds((c + 1) * _CH, _CH)]],
                bufs[nxt], gsems[nxt])
        wpend[slot] = pltpu.async_copy(
            bufs[slot], out_hbm.at[pl.ds(base + c * _CH, _CH)], wsems[slot])
    for p in wpend:
        if p is not None:
            p.wait()


def _gather_rows(a, idx, chunk_off, kc):
    bpw = kc // _NW
    mesh = plsc.VectorSubcoreMesh(core_axis_name="c", subcore_axis_name="s")
    return pl.kernel(
        functools.partial(_gather_body, chunk_off=chunk_off, bpw=bpw,
                          nsub=bpw // _CH),
        mesh=mesh,
        out_type=jax.ShapeDtypeStruct((kc, N), jnp.float32),
        scratch_types=[
            pltpu.VMEM((bpw,), jnp.int32),
            pltpu.VMEM((_CH, N), jnp.float32),
            pltpu.VMEM((_CH, N), jnp.float32),
            pltpu.SemaphoreType.DMA,
            pltpu.SemaphoreType.DMA,
            pltpu.SemaphoreType.DMA,
            pltpu.SemaphoreType.DMA,
        ],
    )(a, idx)


_BX = 1024


def _xw_body(x_ref, wt_ref, out_ref):
    out_ref[...] = jnp.dot(
        x_ref[...].astype(jnp.bfloat16), wt_ref[...].astype(jnp.bfloat16),
        preferred_element_type=jnp.float32).astype(jnp.bfloat16)


def _xw(x, wt):
    return pl.pallas_call(
        _xw_body,
        grid=(N // _BX,),
        in_specs=[
            pl.BlockSpec((_BX, D), lambda i: (i, 0)),
            pl.BlockSpec((D, D), lambda i: (0, 0)),
        ],
        out_specs=pl.BlockSpec((_BX, D), lambda i: (i, 0)),
        out_shape=jax.ShapeDtypeStruct((N, D), jnp.bfloat16),
        compiler_params=pltpu.CompilerParams(
            dimension_semantics=("arbitrary",)),
    )(x, wt)


_BM = 256


def _mm_body(ag_ref, xw_ref, b_ref, val_ref, *rest):
    out_ref = rest[-1]
    ag_bf = ag_ref[...].astype(jnp.bfloat16)
    h = jnp.dot(ag_bf, xw_ref[...], preferred_element_type=jnp.float32)
    out_ref[...] = (h + b_ref[...]) * val_ref[...]


def _matmul_chunk(row_off, kc, ag, xw_bf, b2d, val2d, prev):
    off = row_off // _BM
    in_specs = [
        pl.BlockSpec((_BM, N), lambda i: (i, 0)),
        pl.BlockSpec((N, D), lambda i: (0, 0)),
        pl.BlockSpec((1, D), lambda i: (0, 0)),
        pl.BlockSpec((_BM, 1), lambda i: (off + i, 0)),
    ]
    args = [ag, xw_bf, b2d, val2d]
    aliases = {}
    if prev is not None:
        in_specs.append(pl.BlockSpec(memory_space=pl.ANY))
        args.append(prev)
        aliases = {4: 0}
    return pl.pallas_call(
        _mm_body,
        grid=(kc // _BM,),
        in_specs=in_specs,
        out_specs=pl.BlockSpec((_BM, D), lambda i: (off + i, 0)),
        out_shape=jax.ShapeDtypeStruct((K, D), jnp.float32),
        input_output_aliases=aliases,
        compiler_params=pltpu.CompilerParams(
            dimension_semantics=("arbitrary",)),
    )(*args)


def kernel(A, X, idx, value, W, b):
    idx32 = idx.astype(jnp.int32)
    b2d = b.reshape(1, D)
    val2d = value.reshape(K, 1)
    offs = [0]
    for kc in _CHUNKS[:-1]:
        offs.append(offs[-1] + kc)
    ags = [_gather_rows(A, idx32, off, kc)
           for off, kc in zip(offs, _CHUNKS)]
    xw_bf = _xw(X, W.T)
    out = None
    for off, kc, ag in zip(offs, _CHUNKS, ags):
        out = _matmul_chunk(off, kc, ag, xw_bf, b2d, val2d, out)
    return out

# --- scband reference (transcript-rebuilt; emitter-appended) ---
"""Pipeline reference for scband-graph-pool-77635828842630 (READ-ONLY COPY).

The authoritative reference and input builder live on the scoring server;
editing this copy changes nothing except your own understanding.
"""

import jax, jax.numpy as jnp
import numpy as np

N = 4096
D = 512
K = 2048

def setup_inputs(seed: int = 0) -> dict:
    key = jax.random.key(seed)
    k1, k2, k3, k4, k5 = jax.random.split(key, 5)
    A = jax.random.uniform(k1, (N, N), dtype=jnp.float32)
    X = jax.random.normal(k2, (N, D), dtype=jnp.float32)
    idx = jax.random.randint(k3, (K,), 0, N, dtype=jnp.int64)
    value = jax.random.uniform(k4, (K,), dtype=jnp.float32)
    # GCN down_gcn params: nn.Linear(in_dim=512, out_dim=512)
    W = jax.random.normal(k5, (D, D), dtype=jnp.float32) * (1.0 / np.sqrt(D))
    b = jnp.zeros((D,), dtype=jnp.float32)
    return {"A": A, "X": X, "idx": idx, "value": value, "W": W, "b": b}

def reference(A, X, idx, value, W, b):
    # GraphPool with g=True: X = down_gcn(A, X) (dropout is identity in eval; act=None)
    H = jnp.matmul(A, X)              # torch.matmul(A, X)
    H = jnp.matmul(H, W.T) + b        # nn.Linear projection
    # new_x = X[idx, :]
    new_x = jnp.take(H, idx, axis=0)
    # score = value.unsqueeze(-1); new_x = new_x * score
    score = value[:, None]
    new_x = new_x * score
    # initlayer=False -> return new_x only
    return new_x

if __name__ == "__main__":
    import jax
    _d = setup_inputs()
    print(jax.jit(kernel)(*tuple(_d.values())))

</pallas_src>

<mosaic_0001>
#map = affine_map<(d0, d1) -> (0, 0)>
#map1 = affine_map<(d0, d1) -> (0)>
module attributes {stable_mosaic.version = 14 : i64} {
  func.func @_gather_body(%arg0: i32, %arg1: i32, %arg2: memref<4096x4096xf32, #tpu.memory_space<hbm>>, %arg3: memref<2048xi32, #tpu.memory_space<hbm>>, %arg4: memref<768x4096xf32, #tpu.memory_space<hbm>>, %arg5: memref<24xi32, #tpu.memory_space<vmem>>, %arg6: memref<8x4096xf32, #tpu.memory_space<vmem>>, %arg7: memref<8x4096xf32, #tpu.memory_space<vmem>>, %arg8: memref<!tpu.dma_semaphore, #tpu.memory_space<semaphore_mem>>, %arg9: memref<!tpu.dma_semaphore, #tpu.memory_space<semaphore_mem>>, %arg10: memref<!tpu.dma_semaphore, #tpu.memory_space<semaphore_mem>>, %arg11: memref<!tpu.dma_semaphore, #tpu.memory_space<semaphore_mem>>) attributes {dimension_semantics = [#tpu.dimension_semantics<core_parallel>, #tpu.dimension_semantics<subcore_parallel>], iteration_bounds = array<i64: 2, 16>, scalar_prefetch = 0 : i64, scratch_operands = 7 : i64, tpu.core_type = #tpu.core_type<sc_vector_subcore>, window_params = [{transform_indices = #map}, {transform_indices = #map1}, {transform_indices = #map}]} {
    %mul3A = arith.constant 2 : i32
    %mul3A_0 = arith.muli %arg1, %mul3A : i32
    %add3A = arith.addi %mul3A_0, %arg0 : i32
    %mul3A_1 = arith.constant 24 : i32
    %mul3A_2 = arith.muli %add3A, %mul3A_1 : i32
    %add3A_3 = arith.constant 768 : i32
    %add3A_4 = arith.addi %add3A_3, %mul3A_2 : i32
    "tpu.region"() ({
      %run_scoped3A = tpu.sem_alloc : memref<!tpu.dma_semaphore, #tpu.memory_space<semaphore_mem>>
      %dma_start3A_63 = tpu.memref_slice %arg3[%add3A_4] : memref<2048xi32, #tpu.memory_space<hbm>> -> memref<24xi32, #tpu.memory_space<hbm>>
      %dma_start3A_64 = tpu.memref_slice %arg3[%add3A_4] : memref<2048xi32, #tpu.memory_space<hbm>> -> memref<24xi32, #tpu.memory_space<hbm>>
      tpu.enqueue_dma source(%dma_start3A_64 : memref<24xi32, #tpu.memory_space<hbm>>) target(%arg5 : memref<24xi32, #tpu.memory_space<vmem>>) target_semaphore(%run_scoped3A : memref<!tpu.dma_semaphore, #tpu.memory_space<semaphore_mem>>)
      %dma_wait3A_65 = tpu.memref_slice %arg3[%add3A_4] : memref<2048xi32, #tpu.memory_space<hbm>> -> memref<24xi32, #tpu.memory_space<hbm>>
      %dma_wait3A_66 = tpu.memref_slice %arg3[%add3A_4] : memref<2048xi32, #tpu.memory_space<hbm>> -> memref<24xi32, #tpu.memory_space<hbm>>
      tpu.wait_dma2 semaphore(%run_scoped3A : memref<!tpu.dma_semaphore, #tpu.memory_space<semaphore_mem>>) src(%dma_wait3A_66 : memref<24xi32, #tpu.memory_space<hbm>>) dst(%arg5 : memref<24xi32, #tpu.memory_space<vmem>>)
      tpu.yield
    }) : () -> ()
    %dma_start3A = arith.constant 0 : i32
    %dma_start3A_5 = tpu.memref_slice %arg5[%dma_start3A] : memref<24xi32, #tpu.memory_space<vmem>> -> memref<8xi32, #tpu.memory_space<vmem>>
    %dma_start3A_6 = arith.constant 0 : i32
    %dma_start3A_7 = arith.constant 0 : i32
    %dma_start3A_8 = tpu.memref_slice %arg2[%dma_start3A_6, %dma_start3A_7] : memref<4096x4096xf32, #tpu.memory_space<hbm>> -> memref<4096x4096xf32, #tpu.memory_space<hbm>>
    tpu.enqueue_indirect_dma source(%dma_start3A_8 : memref<4096x4096xf32, #tpu.memory_space<hbm>>) target(%arg6 : memref<8x4096xf32, #tpu.memory_space<vmem>>) offsets(%dma_start3A_5 : memref<8xi32, #tpu.memory_space<vmem>>) semaphore(%arg8 : memref<!tpu.dma_semaphore, #tpu.memory_space<semaphore_mem>>)
    %dma_wait3A = arith.constant 0 : i32
    %dma_wait3A_9 = tpu.memref_slice %arg5[%dma_wait3A] : memref<24xi32, #tpu.memory_space<vmem>> -> memref<8xi32, #tpu.memory_space<vmem>>
    %dma_wait3A_10 = arith.constant 0 : i32
    %dma_wait3A_11 = arith.constant 0 : i32
    %dma_wait3A_12 = tpu.memref_slice %arg2[%dma_wait3A_10, %dma_wait3A_11] : memref<4096x4096xf32, #tpu.memory_space<hbm>> -> memref<4096x4096xf32, #tpu.memory_space<hbm>>
    tpu.wait_indirect_dma semaphore(%arg8 : memref<!tpu.dma_semaphore, #tpu.memory_space<semaphore_mem>>) src(%dma_wait3A_12 : memref<4096x4096xf32, #tpu.memory_space<hbm>>) dst(%arg6 : memref<8x4096xf32, #tpu.memory_space<vmem>>)
    %dma_start3A_13 = arith.constant 8 : i32
    %dma_start3A_14 = tpu.memref_slice %arg5[%dma_start3A_13] : memref<24xi32, #tpu.memory_space<vmem>> -> memref<8xi32, #tpu.memory_space<vmem>>
    %dma_start3A_15 = arith.constant 0 : i32
    %dma_start3A_16 = arith.constant 0 : i32
    %dma_start3A_17 = tpu.memref_slice %arg2[%dma_start3A_15, %dma_start3A_16] : memref<4096x4096xf32, #tpu.memory_space<hbm>> -> memref<4096x4096xf32, #tpu.memory_space<hbm>>
    tpu.enqueue_indirect_dma source(%dma_start3A_17 : memref<4096x4096xf32, #tpu.memory_space<hbm>>) target(%arg7 : memref<8x4096xf32, #tpu.memory_space<vmem>>) offsets(%dma_start3A_14 : memref<8xi32, #tpu.memory_space<vmem>>) semaphore(%arg9 : memref<!tpu.dma_semaphore, #tpu.memory_space<semaphore_mem>>)
    %add3A_18 = arith.constant 0 : i32
    %add3A_19 = arith.addi %mul3A_2, %add3A_18 : i32
    %dma_start3A_20 = arith.constant 0 : i32
    %dma_start3A_21 = tpu.memref_slice %arg4[%add3A_19, %dma_start3A_20] : memref<768x4096xf32, #tpu.memory_space<hbm>> -> memref<8x4096xf32, #tpu.memory_space<hbm>>
    %dma_start3A_22 = arith.constant 0 : i32
    %dma_start3A_23 = tpu.memref_slice %arg4[%add3A_19, %dma_start3A_22] : memref<768x4096xf32, #tpu.memory_space<hbm>> -> memref<8x4096xf32, #tpu.memory_space<hbm>>
    tpu.enqueue_dma source(%arg6 : memref<8x4096xf32, #tpu.memory_space<vmem>>) target(%dma_start3A_23 : memref<8x4096xf32, #tpu.memory_space<hbm>>) target_semaphore(%arg10 : memref<!tpu.dma_semaphore, #tpu.memory_space<semaphore_mem>>)
    %dma_wait3A_24 = arith.constant 8 : i32
    %dma_wait3A_25 = tpu.memref_slice %arg5[%dma_wait3A_24] : memref<24xi32, #tpu.memory_space<vmem>> -> memref<8xi32, #tpu.memory_space<vmem>>
    %dma_wait3A_26 = arith.constant 0 : i32
    %dma_wait3A_27 = arith.constant 0 : i32
    %dma_wait3A_28 = tpu.memref_slice %arg2[%dma_wait3A_26, %dma_wait3A_27] : memref<4096x4096xf32, #tpu.memory_space<hbm>> -> memref<4096x4096xf32, #tpu.memory_space<hbm>>
    tpu.wait_indirect_dma semaphore(%arg9 : memref<!tpu.dma_semaphore, #tpu.memory_space<semaphore_mem>>) src(%dma_wait3A_28 : memref<4096x4096xf32, #tpu.memory_space<hbm>>) dst(%arg7 : memref<8x4096xf32, #tpu.memory_space<vmem>>)
    %dma_wait3A_29 = arith.constant 0 : i32
    %dma_wait3A_30 = tpu.memref_slice %arg4[%add3A_19, %dma_wait3A_29] : memref<768x4096xf32, #tpu.memory_space<hbm>> -> memref<8x4096xf32, #tpu.memory_space<hbm>>
    %dma_wait3A_31 = arith.constant 0 : i32
    %dma_wait3A_32 = tpu.memref_slice %arg4[%add3A_19, %dma_wait3A_31] : memref<768x4096xf32, #tpu.memory_space<hbm>> -> memref<8x4096xf32, #tpu.memory_space<hbm>>
    tpu.wait_dma2 semaphore(%arg10 : memref<!tpu.dma_semaphore, #tpu.memory_space<semaphore_mem>>) src(%arg6 : memref<8x4096xf32, #tpu.memory_space<vmem>>) dst(%dma_wait3A_32 : memref<8x4096xf32, #tpu.memory_space<hbm>>)
    %dma_start3A_33 = arith.constant 16 : i32
    %dma_start3A_34 = tpu.memref_slice %arg5[%dma_start3A_33] : memref<24xi32, #tpu.memory_space<vmem>> -> memref<8xi32, #tpu.memory_space<vmem>>
    %dma_start3A_35 = arith.constant 0 : i32
    %dma_start3A_36 = arith.constant 0 : i32
    %dma_start3A_37 = tpu.memref_slice %arg2[%dma_start3A_35, %dma_start3A_36] : memref<4096x4096xf32, #tpu.memory_space<hbm>> -> memref<4096x4096xf32, #tpu.memory_space<hbm>>
    tpu.enqueue_indirect_dma source(%dma_start3A_37 : memref<4096x4096xf32, #tpu.memory_space<hbm>>) target(%arg6 : memref<8x4096xf32, #tpu.memory_space<vmem>>) offsets(%dma_start3A_34 : memref<8xi32, #tpu.memory_space<vmem>>) semaphore(%arg8 : memref<!tpu.dma_semaphore, #tpu.memory_space<semaphore_mem>>)
    %add3A_38 = arith.constant 8 : i32
    %add3A_39 = arith.addi %mul3A_2, %add3A_38 : i32
    %dma_start3A_40 = arith.constant 0 : i32
    %dma_start3A_41 = tpu.memref_slice %arg4[%add3A_39, %dma_start3A_40] : memref<768x4096xf32, #tpu.memory_space<hbm>> -> memref<8x4096xf32, #tpu.memory_space<hbm>>
    %dma_start3A_42 = arith.constant 0 : i32
    %dma_start3A_43 = tpu.memref_slice %arg4[%add3A_39, %dma_start3A_42] : memref<768x4096xf32, #tpu.memory_space<hbm>> -> memref<8x4096xf32, #tpu.memory_space<hbm>>
    tpu.enqueue_dma source(%arg7 : memref<8x4096xf32, #tpu.memory_space<vmem>>) target(%dma_start3A_43 : memref<8x4096xf32, #tpu.memory_space<hbm>>) target_semaphore(%arg11 : memref<!tpu.dma_semaphore, #tpu.memory_space<semaphore_mem>>)
    %dma_wait3A_44 = arith.constant 16 : i32
    %dma_wait3A_45 = tpu.memref_slice %arg5[%dma_wait3A_44] : memref<24xi32, #tpu.memory_space<vmem>> -> memref<8xi32, #tpu.memory_space<vmem>>
    %dma_wait3A_46 = arith.constant 0 : i32
    %dma_wait3A_47 = arith.constant 0 : i32
    %dma_wait3A_48 = tpu.memref_slice %arg2[%dma_wait3A_46, %dma_wait3A_47] : memref<4096x4096xf32, #tpu.memory_space<hbm>> -> memref<4096x4096xf32, #tpu.memory_space<hbm>>
    tpu.wait_indirect_dma semaphore(%arg8 : memref<!tpu.dma_semaphore, #tpu.memory_space<semaphore_mem>>) src(%dma_wait3A_48 : memref<4096x4096xf32, #tpu.memory_space<hbm>>) dst(%arg6 : memref<8x4096xf32, #tpu.memory_space<vmem>>)
    %add3A_49 = arith.constant 16 : i32
    %add3A_50 = arith.addi %mul3A_2, %add3A_49 : i32
    %dma_start3A_51 = arith.constant 0 : i32
    %dma_start3A_52 = tpu.memref_slice %arg4[%add3A_50, %dma_start3A_51] : memref<768x4096xf32, #tpu.memory_space<hbm>> -> memref<8x4096xf32, #tpu.memory_space<hbm>>
    %dma_start3A_53 = arith.constant 0 : i32
    %dma_start3A_54 = tpu.memref_slice %arg4[%add3A_50, %dma_start3A_53] : memref<768x4096xf32, #tpu.memory_space<hbm>> -> memref<8x4096xf32, #tpu.memory_space<hbm>>
    tpu.enqueue_dma source(%arg6 : memref<8x4096xf32, #tpu.memory_space<vmem>>) target(%dma_start3A_54 : memref<8x4096xf32, #tpu.memory_space<hbm>>) target_semaphore(%arg10 : memref<!tpu.dma_semaphore, #tpu.memory_space<semaphore_mem>>)
    %dma_wait3A_55 = arith.constant 0 : i32
    %dma_wait3A_56 = tpu.memref_slice %arg4[%add3A_50, %dma_wait3A_55] : memref<768x4096xf32, #tpu.memory_space<hbm>> -> memref<8x4096xf32, #tpu.memory_space<hbm>>
    %dma_wait3A_57 = arith.constant 0 : i32
    %dma_wait3A_58 = tpu.memref_slice %arg4[%add3A_50, %dma_wait3A_57] : memref<768x4096xf32, #tpu.memory_space<hbm>> -> memref<8x4096xf32, #tpu.memory_space<hbm>>
    tpu.wait_dma2 semaphore(%arg10 : memref<!tpu.dma_semaphore, #tpu.memory_space<semaphore_mem>>) src(%arg6 : memref<8x4096xf32, #tpu.memory_space<vmem>>) dst(%dma_wait3A_58 : memref<8x4096xf32, #tpu.memory_space<hbm>>)
    %dma_wait3A_59 = arith.constant 0 : i32
    %dma_wait3A_60 = tpu.memref_slice %arg4[%add3A_39, %dma_wait3A_59] : memref<768x4096xf32, #tpu.memory_space<hbm>> -> memref<8x4096xf32, #tpu.memory_space<hbm>>
    %dma_wait3A_61 = arith.constant 0 : i32
    %dma_wait3A_62 = tpu.memref_slice %arg4[%add3A_39, %dma_wait3A_61] : memref<768x4096xf32, #tpu.memory_space<hbm>> -> memref<8x4096xf32, #tpu.memory_space<hbm>>
    tpu.wait_dma2 semaphore(%arg11 : memref<!tpu.dma_semaphore, #tpu.memory_space<semaphore_mem>>) src(%arg7 : memref<8x4096xf32, #tpu.memory_space<vmem>>) dst(%dma_wait3A_62 : memref<8x4096xf32, #tpu.memory_space<hbm>>)
    return
  }
}

#map = affine_map<(d0, d1) -> (0, 0)>
#map1 = affine_map<(d0, d1) -> (0)>
module attributes {stable_mosaic.version = 14 : i64} {
  func.func @_gather_body(%arg0: i32, %arg1: i32, %arg2: memref<4096x4096xf32, #tpu.memory_space<hbm>>, %arg3: memref<2048xi32, #tpu.memory_space<hbm>>, %arg4: memref<768x4096xf32, #tpu.memory_space<hbm>>, %arg5: memref<24xi32, #tpu.memory_space<vmem>>, %arg6: memref<8x4096xf32, #tpu.memory_space<vmem>>, %arg7: memref<8x4096xf32, #tpu.memory_space<vmem>>, %arg8: memref<!tpu.dma_semaphore, #tpu.memory_space<semaphore_mem>>, %arg9: memref<!tpu.dma_semaphore, #tpu.memory_space<semaphore_mem>>, %arg10: memref<!tpu.dma_semaphore, #tpu.memory_space<semaphore_mem>>, %arg11: memref<!tpu.dma_semaphore, #tpu.memory_space<semaphore_mem>>) attributes {dimension_semantics = [#tpu.dimension_semantics<core_parallel>, #tpu.dimension_semantics<subcore_parallel>], iteration_bounds = array<i64: 2, 16>, scalar_prefetch = 0 : i64, scratch_operands = 7 : i64, tpu.core_type = #tpu.core_type<sc_vector_subcore>, window_params = [{transform_indices = #map}, {transform_indices = #map1}, {transform_indices = #map}]} {
    %mul3A = arith.constant 2 : i32
    %mul3A_0 = arith.muli %arg1, %mul3A : i32
    %add3A = arith.addi %mul3A_0, %arg0 : i32
    %mul3A_1 = arith.constant 24 : i32
    %mul3A_2 = arith.muli %add3A, %mul3A_1 : i32
    %add3A_3 = arith.constant 0 : i32
    %add3A_4 = arith.addi %add3A_3, %mul3A_2 : i32
    "tpu.region"() ({
      %run_scoped3A = tpu.sem_alloc : memref<!tpu.dma_semaphore, #tpu.memory_space<semaphore_mem>>
      %dma_start3A_63 = tpu.memref_slice %arg3[%add3A_4] : memref<2048xi32, #tpu.memory_space<hbm>> -> memref<24xi32, #tpu.memory_space<hbm>>
      %dma_start3A_64 = tpu.memref_slice %arg3[%add3A_4] : memref<2048xi32, #tpu.memory_space<hbm>> -> memref<24xi32, #tpu.memory_space<hbm>>
      tpu.enqueue_dma source(%dma_start3A_64 : memref<24xi32, #tpu.memory_space<hbm>>) target(%arg5 : memref<24xi32, #tpu.memory_space<vmem>>) target_semaphore(%run_scoped3A : memref<!tpu.dma_semaphore, #tpu.memory_space<semaphore_mem>>)
      %dma_wait3A_65 = tpu.memref_slice %arg3[%add3A_4] : memref<2048xi32, #tpu.memory_space<hbm>> -> memref<24xi32, #tpu.memory_space<hbm>>
      %dma_wait3A_66 = tpu.memref_slice %arg3[%add3A_4] : memref<2048xi32, #tpu.memory_space<hbm>> -> memref<24xi32, #tpu.memory_space<hbm>>
      tpu.wait_dma2 semaphore(%run_scoped3A : memref<!tpu.dma_semaphore, #tpu.memory_space<semaphore_mem>>) src(%dma_wait3A_66 : memref<24xi32, #tpu.memory_space<hbm>>) dst(%arg5 : memref<24xi32, #tpu.memory_space<vmem>>)
      tpu.yield
    }) : () -> ()
    %dma_start3A = arith.constant 0 : i32
    %dma_start3A_5 = tpu.memref_slice %arg5[%dma_start3A] : memref<24xi32, #tpu.memory_space<vmem>> -> memref<8xi32, #tpu.memory_space<vmem>>
    %dma_start3A_6 = arith.constant 0 : i32
    %dma_start3A_7 = arith.constant 0 : i32
    %dma_start3A_8 = tpu.memref_slice %arg2[%dma_start3A_6, %dma_start3A_7] : memref<4096x4096xf32, #tpu.memory_space<hbm>> -> memref<4096x4096xf32, #tpu.memory_space<hbm>>
    tpu.enqueue_indirect_dma source(%dma_start3A_8 : memref<4096x4096xf32, #tpu.memory_space<hbm>>) target(%arg6 : memref<8x4096xf32, #tpu.memory_space<vmem>>) offsets(%dma_start3A_5 : memref<8xi32, #tpu.memory_space<vmem>>) semaphore(%arg8 : memref<!tpu.dma_semaphore, #tpu.memory_space<semaphore_mem>>)
    %dma_wait3A = arith.constant 0 : i32
    %dma_wait3A_9 = tpu.memref_slice %arg5[%dma_wait3A] : memref<24xi32, #tpu.memory_space<vmem>> -> memref<8xi32, #tpu.memory_space<vmem>>
    %dma_wait3A_10 = arith.constant 0 : i32
    %dma_wait3A_11 = arith.constant 0 : i32
    %dma_wait3A_12 = tpu.memref_slice %arg2[%dma_wait3A_10, %dma_wait3A_11] : memref<4096x4096xf32, #tpu.memory_space<hbm>> -> memref<4096x4096xf32, #tpu.memory_space<hbm>>
    tpu.wait_indirect_dma semaphore(%arg8 : memref<!tpu.dma_semaphore, #tpu.memory_space<semaphore_mem>>) src(%dma_wait3A_12 : memref<4096x4096xf32, #tpu.memory_space<hbm>>) dst(%arg6 : memref<8x4096xf32, #tpu.memory_space<vmem>>)
    %dma_start3A_13 = arith.constant 8 : i32
    %dma_start3A_14 = tpu.memref_slice %arg5[%dma_start3A_13] : memref<24xi32, #tpu.memory_space<vmem>> -> memref<8xi32, #tpu.memory_space<vmem>>
    %dma_start3A_15 = arith.constant 0 : i32
    %dma_start3A_16 = arith.constant 0 : i32
    %dma_start3A_17 = tpu.memref_slice %arg2[%dma_start3A_15, %dma_start3A_16] : memref<4096x4096xf32, #tpu.memory_space<hbm>> -> memref<4096x4096xf32, #tpu.memory_space<hbm>>
    tpu.enqueue_indirect_dma source(%dma_start3A_17 : memref<4096x4096xf32, #tpu.memory_space<hbm>>) target(%arg7 : memref<8x4096xf32, #tpu.memory_space<vmem>>) offsets(%dma_start3A_14 : memref<8xi32, #tpu.memory_space<vmem>>) semaphore(%arg9 : memref<!tpu.dma_semaphore, #tpu.memory_space<semaphore_mem>>)
    %add3A_18 = arith.constant 0 : i32
    %add3A_19 = arith.addi %mul3A_2, %add3A_18 : i32
    %dma_start3A_20 = arith.constant 0 : i32
    %dma_start3A_21 = tpu.memref_slice %arg4[%add3A_19, %dma_start3A_20] : memref<768x4096xf32, #tpu.memory_space<hbm>> -> memref<8x4096xf32, #tpu.memory_space<hbm>>
    %dma_start3A_22 = arith.constant 0 : i32
    %dma_start3A_23 = tpu.memref_slice %arg4[%add3A_19, %dma_start3A_22] : memref<768x4096xf32, #tpu.memory_space<hbm>> -> memref<8x4096xf32, #tpu.memory_space<hbm>>
    tpu.enqueue_dma source(%arg6 : memref<8x4096xf32, #tpu.memory_space<vmem>>) target(%dma_start3A_23 : memref<8x4096xf32, #tpu.memory_space<hbm>>) target_semaphore(%arg10 : memref<!tpu.dma_semaphore, #tpu.memory_space<semaphore_mem>>)
    %dma_wait3A_24 = arith.constant 8 : i32
    %dma_wait3A_25 = tpu.memref_slice %arg5[%dma_wait3A_24] : memref<24xi32, #tpu.memory_space<vmem>> -> memref<8xi32, #tpu.memory_space<vmem>>
    %dma_wait3A_26 = arith.constant 0 : i32
    %dma_wait3A_27 = arith.constant 0 : i32
    %dma_wait3A_28 = tpu.memref_slice %arg2[%dma_wait3A_26, %dma_wait3A_27] : memref<4096x4096xf32, #tpu.memory_space<hbm>> -> memref<4096x4096xf32, #tpu.memory_space<hbm>>
    tpu.wait_indirect_dma semaphore(%arg9 : memref<!tpu.dma_semaphore, #tpu.memory_space<semaphore_mem>>) src(%dma_wait3A_28 : memref<4096x4096xf32, #tpu.memory_space<hbm>>) dst(%arg7 : memref<8x4096xf32, #tpu.memory_space<vmem>>)
    %dma_wait3A_29 = arith.constant 0 : i32
    %dma_wait3A_30 = tpu.memref_slice %arg4[%add3A_19, %dma_wait3A_29] : memref<768x4096xf32, #tpu.memory_space<hbm>> -> memref<8x4096xf32, #tpu.memory_space<hbm>>
    %dma_wait3A_31 = arith.constant 0 : i32
    %dma_wait3A_32 = tpu.memref_slice %arg4[%add3A_19, %dma_wait3A_31] : memref<768x4096xf32, #tpu.memory_space<hbm>> -> memref<8x4096xf32, #tpu.memory_space<hbm>>
    tpu.wait_dma2 semaphore(%arg10 : memref<!tpu.dma_semaphore, #tpu.memory_space<semaphore_mem>>) src(%arg6 : memref<8x4096xf32, #tpu.memory_space<vmem>>) dst(%dma_wait3A_32 : memref<8x4096xf32, #tpu.memory_space<hbm>>)
    %dma_start3A_33 = arith.constant 16 : i32
    %dma_start3A_34 = tpu.memref_slice %arg5[%dma_start3A_33] : memref<24xi32, #tpu.memory_space<vmem>> -> memref<8xi32, #tpu.memory_space<vmem>>
    %dma_start3A_35 = arith.constant 0 : i32
    %dma_start3A_36 = arith.constant 0 : i32
    %dma_start3A_37 = tpu.memref_slice %arg2[%dma_start3A_35, %dma_start3A_36] : memref<4096x4096xf32, #tpu.memory_space<hbm>> -> memref<4096x4096xf32, #tpu.memory_space<hbm>>
    tpu.enqueue_indirect_dma source(%dma_start3A_37 : memref<4096x4096xf32, #tpu.memory_space<hbm>>) target(%arg6 : memref<8x4096xf32, #tpu.memory_space<vmem>>) offsets(%dma_start3A_34 : memref<8xi32, #tpu.memory_space<vmem>>) semaphore(%arg8 : memref<!tpu.dma_semaphore, #tpu.memory_space<semaphore_mem>>)
    %add3A_38 = arith.constant 8 : i32
    %add3A_39 = arith.addi %mul3A_2, %add3A_38 : i32
    %dma_start3A_40 = arith.constant 0 : i32
    %dma_start3A_41 = tpu.memref_slice %arg4[%add3A_39, %dma_start3A_40] : memref<768x4096xf32, #tpu.memory_space<hbm>> -> memref<8x4096xf32, #tpu.memory_space<hbm>>
    %dma_start3A_42 = arith.constant 0 : i32
    %dma_start3A_43 = tpu.memref_slice %arg4[%add3A_39, %dma_start3A_42] : memref<768x4096xf32, #tpu.memory_space<hbm>> -> memref<8x4096xf32, #tpu.memory_space<hbm>>
    tpu.enqueue_dma source(%arg7 : memref<8x4096xf32, #tpu.memory_space<vmem>>) target(%dma_start3A_43 : memref<8x4096xf32, #tpu.memory_space<hbm>>) target_semaphore(%arg11 : memref<!tpu.dma_semaphore, #tpu.memory_space<semaphore_mem>>)
    %dma_wait3A_44 = arith.constant 16 : i32
    %dma_wait3A_45 = tpu.memref_slice %arg5[%dma_wait3A_44] : memref<24xi32, #tpu.memory_space<vmem>> -> memref<8xi32, #tpu.memory_space<vmem>>
    %dma_wait3A_46 = arith.constant 0 : i32
    %dma_wait3A_47 = arith.constant 0 : i32
    %dma_wait3A_48 = tpu.memref_slice %arg2[%dma_wait3A_46, %dma_wait3A_47] : memref<4096x4096xf32, #tpu.memory_space<hbm>> -> memref<4096x4096xf32, #tpu.memory_space<hbm>>
    tpu.wait_indirect_dma semaphore(%arg8 : memref<!tpu.dma_semaphore, #tpu.memory_space<semaphore_mem>>) src(%dma_wait3A_48 : memref<4096x4096xf32, #tpu.memory_space<hbm>>) dst(%arg6 : memref<8x4096xf32, #tpu.memory_space<vmem>>)
    %add3A_49 = arith.constant 16 : i32
    %add3A_50 = arith.addi %mul3A_2, %add3A_49 : i32
    %dma_start3A_51 = arith.constant 0 : i32
    %dma_start3A_52 = tpu.memref_slice %arg4[%add3A_50, %dma_start3A_51] : memref<768x4096xf32, #tpu.memory_space<hbm>> -> memref<8x4096xf32, #tpu.memory_space<hbm>>
    %dma_start3A_53 = arith.constant 0 : i32
    %dma_start3A_54 = tpu.memref_slice %arg4[%add3A_50, %dma_start3A_53] : memref<768x4096xf32, #tpu.memory_space<hbm>> -> memref<8x4096xf32, #tpu.memory_space<hbm>>
    tpu.enqueue_dma source(%arg6 : memref<8x4096xf32, #tpu.memory_space<vmem>>) target(%dma_start3A_54 : memref<8x4096xf32, #tpu.memory_space<hbm>>) target_semaphore(%arg10 : memref<!tpu.dma_semaphore, #tpu.memory_space<semaphore_mem>>)
    %dma_wait3A_55 = arith.constant 0 : i32
    %dma_wait3A_56 = tpu.memref_slice %arg4[%add3A_50, %dma_wait3A_55] : memref<768x4096xf32, #tpu.memory_space<hbm>> -> memref<8x4096xf32, #tpu.memory_space<hbm>>
    %dma_wait3A_57 = arith.constant 0 : i32
    %dma_wait3A_58 = tpu.memref_slice %arg4[%add3A_50, %dma_wait3A_57] : memref<768x4096xf32, #tpu.memory_space<hbm>> -> memref<8x4096xf32, #tpu.memory_space<hbm>>
    tpu.wait_dma2 semaphore(%arg10 : memref<!tpu.dma_semaphore, #tpu.memory_space<semaphore_mem>>) src(%arg6 : memref<8x4096xf32, #tpu.memory_space<vmem>>) dst(%dma_wait3A_58 : memref<8x4096xf32, #tpu.memory_space<hbm>>)
    %dma_wait3A_59 = arith.constant 0 : i32
    %dma_wait3A_60 = tpu.memref_slice %arg4[%add3A_39, %dma_wait3A_59] : memref<768x4096xf32, #tpu.memory_space<hbm>> -> memref<8x4096xf32, #tpu.memory_space<hbm>>
    %dma_wait3A_61 = arith.constant 0 : i32
    %dma_wait3A_62 = tpu.memref_slice %arg4[%add3A_39, %dma_wait3A_61] : memref<768x4096xf32, #tpu.memory_space<hbm>> -> memref<8x4096xf32, #tpu.memory_space<hbm>>
    tpu.wait_dma2 semaphore(%arg11 : memref<!tpu.dma_semaphore, #tpu.memory_space<semaphore_mem>>) src(%arg7 : memref<8x4096xf32, #tpu.memory_space<vmem>>) dst(%dma_wait3A_62 : memref<8x4096xf32, #tpu.memory_space<hbm>>)
    return
  }
}

#map = affine_map<(d0, d1) -> (0, 0)>
#map1 = affine_map<(d0, d1) -> (0)>
module attributes {stable_mosaic.version = 14 : i64} {
  func.func @_gather_body(%arg0: i32, %arg1: i32, %arg2: memref<4096x4096xf32, #tpu.memory_space<hbm>>, %arg3: memref<2048xi32, #tpu.memory_space<hbm>>, %arg4: memref<512x4096xf32, #tpu.memory_space<hbm>>, %arg5: memref<16xi32, #tpu.memory_space<vmem>>, %arg6: memref<8x4096xf32, #tpu.memory_space<vmem>>, %arg7: memref<8x4096xf32, #tpu.memory_space<vmem>>, %arg8: memref<!tpu.dma_semaphore, #tpu.memory_space<semaphore_mem>>, %arg9: memref<!tpu.dma_semaphore, #tpu.memory_space<semaphore_mem>>, %arg10: memref<!tpu.dma_semaphore, #tpu.memory_space<semaphore_mem>>, %arg11: memref<!tpu.dma_semaphore, #tpu.memory_space<semaphore_mem>>) attributes {dimension_semantics = [#tpu.dimension_semantics<core_parallel>, #tpu.dimension_semantics<subcore_parallel>], iteration_bounds = array<i64: 2, 16>, scalar_prefetch = 0 : i64, scratch_operands = 7 : i64, tpu.core_type = #tpu.core_type<sc_vector_subcore>, window_params = [{transform_indices = #map}, {transform_indices = #map1}, {transform_indices = #map}]} {
    %mul3A = arith.constant 2 : i32
    %mul3A_0 = arith.muli %arg1, %mul3A : i32
    %add3A = arith.addi %mul3A_0, %arg0 : i32
    %mul3A_1 = arith.constant 16 : i32
    %mul3A_2 = arith.muli %add3A, %mul3A_1 : i32
    %add3A_3 = arith.constant 1536 : i32
    %add3A_4 = arith.addi %add3A_3, %mul3A_2 : i32
    "tpu.region"() ({
      %run_scoped3A = tpu.sem_alloc : memref<!tpu.dma_semaphore, #tpu.memory_space<semaphore_mem>>
      %dma_start3A_43 = tpu.memref_slice %arg3[%add3A_4] : memref<2048xi32, #tpu.memory_space<hbm>> -> memref<16xi32, #tpu.memory_space<hbm>>
      %dma_start3A_44 = tpu.memref_slice %arg3[%add3A_4] : memref<2048xi32, #tpu.memory_space<hbm>> -> memref<16xi32, #tpu.memory_space<hbm>>
      tpu.enqueue_dma source(%dma_start3A_44 : memref<16xi32, #tpu.memory_space<hbm>>) target(%arg5 : memref<16xi32, #tpu.memory_space<vmem>>) target_semaphore(%run_scoped3A : memref<!tpu.dma_semaphore, #tpu.memory_space<semaphore_mem>>)
      %dma_wait3A_45 = tpu.memref_slice %arg3[%add3A_4] : memref<2048xi32, #tpu.memory_space<hbm>> -> memref<16xi32, #tpu.memory_space<hbm>>
      %dma_wait3A_46 = tpu.memref_slice %arg3[%add3A_4] : memref<2048xi32, #tpu.memory_space<hbm>> -> memref<16xi32, #tpu.memory_space<hbm>>
      tpu.wait_dma2 semaphore(%run_scoped3A : memref<!tpu.dma_semaphore, #tpu.memory_space<semaphore_mem>>) src(%dma_wait3A_46 : memref<16xi32, #tpu.memory_space<hbm>>) dst(%arg5 : memref<16xi32, #tpu.memory_space<vmem>>)
      tpu.yield
    }) : () -> ()
    %dma_start3A = arith.constant 0 : i32
    %dma_start3A_5 = tpu.memref_slice %arg5[%dma_start3A] : memref<16xi32, #tpu.memory_space<vmem>> -> memref<8xi32, #tpu.memory_space<vmem>>
    %dma_start3A_6 = arith.constant 0 : i32
    %dma_start3A_7 = arith.constant 0 : i32
    %dma_start3A_8 = tpu.memref_slice %arg2[%dma_start3A_6, %dma_start3A_7] : memref<4096x4096xf32, #tpu.memory_space<hbm>> -> memref<4096x4096xf32, #tpu.memory_space<hbm>>
    tpu.enqueue_indirect_dma source(%dma_start3A_8 : memref<4096x4096xf32, #tpu.memory_space<hbm>>) target(%arg6 : memref<8x4096xf32, #tpu.memory_space<vmem>>) offsets(%dma_start3A_5 : memref<8xi32, #tpu.memory_space<vmem>>) semaphore(%arg8 : memref<!tpu.dma_semaphore, #tpu.memory_space<semaphore_mem>>)
    %dma_wait3A = arith.constant 0 : i32
    %dma_wait3A_9 = tpu.memref_slice %arg5[%dma_wait3A] : memref<16xi32, #tpu.memory_space<vmem>> -> memref<8xi32, #tpu.memory_space<vmem>>
    %dma_wait3A_10 = arith.constant 0 : i32
    %dma_wait3A_11 = arith.constant 0 : i32
    %dma_wait3A_12 = tpu.memref_slice %arg2[%dma_wait3A_10, %dma_wait3A_11] : memref<4096x4096xf32, #tpu.memory_space<hbm>> -> memref<4096x4096xf32, #tpu.memory_space<hbm>>
    tpu.wait_indirect_dma semaphore(%arg8 : memref<!tpu.dma_semaphore, #tpu.memory_space<semaphore_mem>>) src(%dma_wait3A_12 : memref<4096x4096xf32, #tpu.memory_space<hbm>>) dst(%arg6 : memref<8x4096xf32, #tpu.memory_space<vmem>>)
    %dma_start3A_13 = arith.constant 8 : i32
    %dma_start3A_14 = tpu.memref_slice %arg5[%dma_start3A_13] : memref<16xi32, #tpu.memory_space<vmem>> -> memref<8xi32, #tpu.memory_space<vmem>>
    %dma_start3A_15 = arith.constant 0 : i32
    %dma_start3A_16 = arith.constant 0 : i32
    %dma_start3A_17 = tpu.memref_slice %arg2[%dma_start3A_15, %dma_start3A_16] : memref<4096x4096xf32, #tpu.memory_space<hbm>> -> memref<4096x4096xf32, #tpu.memory_space<hbm>>
    tpu.enqueue_indirect_dma source(%dma_start3A_17 : memref<4096x4096xf32, #tpu.memory_space<hbm>>) target(%arg7 : memref<8x4096xf32, #tpu.memory_space<vmem>>) offsets(%dma_start3A_14 : memref<8xi32, #tpu.memory_space<vmem>>) semaphore(%arg9 : memref<!tpu.dma_semaphore, #tpu.memory_space<semaphore_mem>>)
    %add3A_18 = arith.constant 0 : i32
    %add3A_19 = arith.addi %mul3A_2, %add3A_18 : i32
    %dma_start3A_20 = arith.constant 0 : i32
    %dma_start3A_21 = tpu.memref_slice %arg4[%add3A_19, %dma_start3A_20] : memref<512x4096xf32, #tpu.memory_space<hbm>> -> memref<8x4096xf32, #tpu.memory_space<hbm>>
    %dma_start3A_22 = arith.constant 0 : i32
    %dma_start3A_23 = tpu.memref_slice %arg4[%add3A_19, %dma_start3A_22] : memref<512x4096xf32, #tpu.memory_space<hbm>> -> memref<8x4096xf32, #tpu.memory_space<hbm>>
    tpu.enqueue_dma source(%arg6 : memref<8x4096xf32, #tpu.memory_space<vmem>>) target(%dma_start3A_23 : memref<8x4096xf32, #tpu.memory_space<hbm>>) target_semaphore(%arg10 : memref<!tpu.dma_semaphore, #tpu.memory_space<semaphore_mem>>)
    %dma_wait3A_24 = arith.constant 8 : i32
    %dma_wait3A_25 = tpu.memref_slice %arg5[%dma_wait3A_24] : memref<16xi32, #tpu.memory_space<vmem>> -> memref<8xi32, #tpu.memory_space<vmem>>
    %dma_wait3A_26 = arith.constant 0 : i32
    %dma_wait3A_27 = arith.constant 0 : i32
    %dma_wait3A_28 = tpu.memref_slice %arg2[%dma_wait3A_26, %dma_wait3A_27] : memref<4096x4096xf32, #tpu.memory_space<hbm>> -> memref<4096x4096xf32, #tpu.memory_space<hbm>>
    tpu.wait_indirect_dma semaphore(%arg9 : memref<!tpu.dma_semaphore, #tpu.memory_space<semaphore_mem>>) src(%dma_wait3A_28 : memref<4096x4096xf32, #tpu.memory_space<hbm>>) dst(%arg7 : memref<8x4096xf32, #tpu.memory_space<vmem>>)
    %add3A_29 = arith.constant 8 : i32
    %add3A_30 = arith.addi %mul3A_2, %add3A_29 : i32
    %dma_start3A_31 = arith.constant 0 : i32
    %dma_start3A_32 = tpu.memref_slice %arg4[%add3A_30, %dma_start3A_31] : memref<512x4096xf32, #tpu.memory_space<hbm>> -> memref<8x4096xf32, #tpu.memory_space<hbm>>
    %dma_start3A_33 = arith.constant 0 : i32
    %dma_start3A_34 = tpu.memref_slice %arg4[%add3A_30, %dma_start3A_33] : memref<512x4096xf32, #tpu.memory_space<hbm>> -> memref<8x4096xf32, #tpu.memory_space<hbm>>
    tpu.enqueue_dma source(%arg7 : memref<8x4096xf32, #tpu.memory_space<vmem>>) target(%dma_start3A_34 : memref<8x4096xf32, #tpu.memory_space<hbm>>) target_semaphore(%arg11 : memref<!tpu.dma_semaphore, #tpu.memory_space<semaphore_mem>>)
    %dma_wait3A_35 = arith.constant 0 : i32
    %dma_wait3A_36 = tpu.memref_slice %arg4[%add3A_19, %dma_wait3A_35] : memref<512x4096xf32, #tpu.memory_space<hbm>> -> memref<8x4096xf32, #tpu.memory_space<hbm>>
    %dma_wait3A_37 = arith.constant 0 : i32
    %dma_wait3A_38 = tpu.memref_slice %arg4[%add3A_19, %dma_wait3A_37] : memref<512x4096xf32, #tpu.memory_space<hbm>> -> memref<8x4096xf32, #tpu.memory_space<hbm>>
    tpu.wait_dma2 semaphore(%arg10 : memref<!tpu.dma_semaphore, #tpu.memory_space<semaphore_mem>>) src(%arg6 : memref<8x4096xf32, #tpu.memory_space<vmem>>) dst(%dma_wait3A_38 : memref<8x4096xf32, #tpu.memory_space<hbm>>)
    %dma_wait3A_39 = arith.constant 0 : i32
    %dma_wait3A_40 = tpu.memref_slice %arg4[%add3A_30, %dma_wait3A_39] : memref<512x4096xf32, #tpu.memory_space<hbm>> -> memref<8x4096xf32, #tpu.memory_space<hbm>>
    %dma_wait3A_41 = arith.constant 0 : i32
    %dma_wait3A_42 = tpu.memref_slice %arg4[%add3A_30, %dma_wait3A_41] : memref<512x4096xf32, #tpu.memory_space<hbm>> -> memref<8x4096xf32, #tpu.memory_space<hbm>>
    tpu.wait_dma2 semaphore(%arg11 : memref<!tpu.dma_semaphore, #tpu.memory_space<semaphore_mem>>) src(%arg7 : memref<8x4096xf32, #tpu.memory_space<vmem>>) dst(%dma_wait3A_42 : memref<8x4096xf32, #tpu.memory_space<hbm>>)
    return
  }
}

module attributes {stable_mosaic.version = 14 : i64} {
  func.func @_xw_body(%arg0: i32, %arg1: memref<1024x512xf32, #tpu.memory_space<vmem>>, %arg2: memref<512x512xf32, #tpu.memory_space<vmem>>, %arg3: memref<1024x512xbf16, #tpu.memory_space<vmem>>) attributes {dimension_semantics = [#tpu.dimension_semantics<arbitrary>], iteration_bounds = array<i64: 4>, scalar_prefetch = 0 : i64, scratch_operands = 0 : i64, tpu.core_type = #tpu.core_type<tc>, window_params = [{transform_indices = @transform_0, window_bounds = array<i64: 1024, 512>}, {pipeline_mode = #tpu.pipeline_mode<synchronous>, transform_indices = @transform_1, window_bounds = array<i64: 512, 512>}, {transform_indices = @transform_2, window_bounds = array<i64: 1024, 512>}]} {
    %get3A = arith.constant 0 : index
    %get3A_0 = arith.constant 0 : index
    %get3A_1 = vector.load %arg1[%get3A, %get3A_0] : memref<1024x512xf32, #tpu.memory_space<vmem>>, vector<1024x512xf32>
    %convert_element_type3A = arith.truncf %get3A_1 : vector<1024x512xf32> to vector<1024x512xbf16>
    %get3A_2 = arith.constant 0 : index
    %get3A_3 = arith.constant 0 : index
    %get3A_4 = vector.load %arg2[%get3A_2, %get3A_3] : memref<512x512xf32, #tpu.memory_space<vmem>>, vector<512x512xf32>
    %convert_element_type3A_5 = arith.truncf %get3A_4 : vector<512x512xf32> to vector<512x512xbf16>
    %dot_general3A = arith.constant dense<0.000000e+00> : vector<1024x512xf32>
    %dot_general3A_6 = tpu.matmul %convert_element_type3A, %convert_element_type3A_5, %dot_general3A {dimension_numbers = #tpu.dot_dimension_numbers<[1], [0], [0], [1], [0, 0, 1, 1], [], []>, transpose_lhs_hint = false} : vector<1024x512xbf16>, vector<512x512xbf16>, vector<1024x512xf32> -> vector<1024x512xf32>
    %convert_element_type3A_7 = arith.truncf %dot_general3A_6 : vector<1024x512xf32> to vector<1024x512xbf16>
    %swap3A = arith.constant 0 : index
    %swap3A_8 = arith.constant 0 : index
    %swap3A_9 = vector.load %arg3[%swap3A, %swap3A_8] : memref<1024x512xbf16, #tpu.memory_space<vmem>>, vector<1024x512xbf16>
    tpu.vector_store %arg3[%swap3A, %swap3A_8], %convert_element_type3A_7 {strides = array<i32>} : memref<1024x512xbf16, #tpu.memory_space<vmem>>, vector<1024x512xbf16>,
    return
  }
  func.func @transform_0(%arg0: i32) -> (i32, i32) {
    %c0_i32 = arith.constant 0 : i32
    %c0_i32_0 = arith.constant 0 : i32
    return %arg0, %c0_i32 : i32, i32
  }
  func.func @transform_1(%arg0: i32) -> (i32, i32) {
    %c0_i32 = arith.constant 0 : i32
    %c0_i32_0 = arith.constant 0 : i32
    %c0_i32_1 = arith.constant 0 : i32
    return %c0_i32, %c0_i32_0 : i32, i32
  }
  func.func @transform_2(%arg0: i32) -> (i32, i32) {
    %c0_i32 = arith.constant 0 : i32
    %c0_i32_0 = arith.constant 0 : i32
    return %arg0, %c0_i32 : i32, i32
  }
}

module attributes {stable_mosaic.version = 14 : i64} {
  func.func @_mm_body(%arg0: i32, %arg1: memref<256x4096xf32, #tpu.memory_space<vmem>>, %arg2: memref<4096x512xbf16, #tpu.memory_space<vmem>>, %arg3: memref<1x512xf32, #tpu.memory_space<vmem>>, %arg4: memref<256x1xf32, #tpu.memory_space<vmem>>, %arg5: memref<256x512xf32, #tpu.memory_space<vmem>>) attributes {dimension_semantics = [#tpu.dimension_semantics<arbitrary>], iteration_bounds = array<i64: 3>, scalar_prefetch = 0 : i64, scratch_operands = 0 : i64, tpu.core_type = #tpu.core_type<tc>, window_params = [{transform_indices = @transform_0, window_bounds = array<i64: 256, 4096>}, {pipeline_mode = #tpu.pipeline_mode<synchronous>, transform_indices = @transform_1, window_bounds = array<i64: 4096, 512>}, {pipeline_mode = #tpu.pipeline_mode<synchronous>, transform_indices = @transform_2, window_bounds = array<i64: 1, 512>}, {transform_indices = @transform_3, window_bounds = array<i64: 256, 1>}, {transform_indices = @transform_4, window_bounds = array<i64: 256, 512>}]} {
    %get3A = arith.constant 0 : index
    %get3A_0 = arith.constant 0 : index
    %get3A_1 = vector.load %arg1[%get3A, %get3A_0] : memref<256x4096xf32, #tpu.memory_space<vmem>>, vector<256x4096xf32>
    %convert_element_type3A = arith.truncf %get3A_1 : vector<256x4096xf32> to vector<256x4096xbf16>
    %get3A_2 = arith.constant 0 : index
    %get3A_3 = arith.constant 0 : index
    %get3A_4 = vector.load %arg2[%get3A_2, %get3A_3] : memref<4096x512xbf16, #tpu.memory_space<vmem>>, vector<4096x512xbf16>
    %dot_general3A = arith.constant dense<0.000000e+00> : vector<256x512xf32>
    %dot_general3A_5 = tpu.matmul %convert_element_type3A, %get3A_4, %dot_general3A {dimension_numbers = #tpu.dot_dimension_numbers<[1], [0], [0], [1], [0, 0, 1, 1], [], []>, transpose_lhs_hint = false} : vector<256x4096xbf16>, vector<4096x512xbf16>, vector<256x512xf32> -> vector<256x512xf32>
    %get3A_6 = arith.constant 0 : index
    %get3A_7 = arith.constant 0 : index
    %get3A_8 = vector.load %arg3[%get3A_6, %get3A_7] : memref<1x512xf32, #tpu.memory_space<vmem>>, vector<1x512xf32>
    %add3A = vector.broadcast %get3A_8 : vector<1x512xf32> to vector<256x512xf32>
    %add3A_9 = arith.addf %dot_general3A_5, %add3A : vector<256x512xf32>
    %get3A_10 = arith.constant 0 : index
    %get3A_11 = arith.constant 0 : index
    %get3A_12 = vector.load %arg4[%get3A_10, %get3A_11] : memref<256x1xf32, #tpu.memory_space<vmem>>, vector<256x1xf32>
    %mul3A = vector.broadcast %get3A_12 : vector<256x1xf32> to vector<256x512xf32>
    %mul3A_13 = arith.mulf %add3A_9, %mul3A : vector<256x512xf32>
    %swap3A = arith.constant 0 : index
    %swap3A_14 = arith.constant 0 : index
    %swap3A_15 = vector.load %arg5[%swap3A, %swap3A_14] : memref<256x512xf32, #tpu.memory_space<vmem>>, vector<256x512xf32>
    tpu.vector_store %arg5[%swap3A, %swap3A_14], %mul3A_13 {strides = array<i32>} : memref<256x512xf32, #tpu.memory_space<vmem>>, vector<256x512xf32>,
    return
  }
  func.func @transform_0(%arg0: i32) -> (i32, i32) {
    %c0_i32 = arith.constant 0 : i32
    %c0_i32_0 = arith.constant 0 : i32
    return %arg0, %c0_i32 : i32, i32
  }
  func.func @transform_1(%arg0: i32) -> (i32, i32) {
    %c0_i32 = arith.constant 0 : i32
    %c0_i32_0 = arith.constant 0 : i32
    %c0_i32_1 = arith.constant 0 : i32
    return %c0_i32, %c0_i32_0 : i32, i32
  }
  func.func @transform_2(%arg0: i32) -> (i32, i32) {
    %c0_i32 = arith.constant 0 : i32
    %c0_i32_0 = arith.constant 0 : i32
    %c0_i32_1 = arith.constant 0 : i32
    return %c0_i32, %c0_i32_0 : i32, i32
  }
  func.func @transform_3(%arg0: i32) -> (i32, i32) {
    %add3A = arith.constant 0 : i32
    %add3A_0 = arith.addi %add3A, %arg0 : i32
    %c0_i32 = arith.constant 0 : i32
    %c0_i32_1 = arith.constant 0 : i32
    return %add3A_0, %c0_i32 : i32, i32
  }
  func.func @transform_4(%arg0: i32) -> (i32, i32) {
    %add3A = arith.constant 0 : i32
    %add3A_0 = arith.addi %add3A, %arg0 : i32
    %c0_i32 = arith.constant 0 : i32
    %c0_i32_1 = arith.constant 0 : i32
    return %add3A_0, %c0_i32 : i32, i32
  }
}

module attributes {stable_mosaic.version = 14 : i64} {
  func.func @_mm_body(%arg0: i32, %arg1: memref<256x4096xf32, #tpu.memory_space<vmem>>, %arg2: memref<4096x512xbf16, #tpu.memory_space<vmem>>, %arg3: memref<1x512xf32, #tpu.memory_space<vmem>>, %arg4: memref<256x1xf32, #tpu.memory_space<vmem>>, %arg5: memref<2048x512xf32, #tpu.memory_space<any>>, %arg6: memref<256x512xf32, #tpu.memory_space<vmem>>) attributes {dimension_semantics = [#tpu.dimension_semantics<arbitrary>], iteration_bounds = array<i64: 3>, scalar_prefetch = 0 : i64, scratch_operands = 0 : i64, tpu.core_type = #tpu.core_type<tc>, window_params = [{transform_indices = @transform_0, window_bounds = array<i64: 256, 4096>}, {pipeline_mode = #tpu.pipeline_mode<synchronous>, transform_indices = @transform_1, window_bounds = array<i64: 4096, 512>}, {pipeline_mode = #tpu.pipeline_mode<synchronous>, transform_indices = @transform_2, window_bounds = array<i64: 1, 512>}, {transform_indices = @transform_3, window_bounds = array<i64: 256, 1>}, {}, {transform_indices = @transform_5, window_bounds = array<i64: 256, 512>}]} {
    %get3A = arith.constant 0 : index
    %get3A_0 = arith.constant 0 : index
    %get3A_1 = vector.load %arg1[%get3A, %get3A_0] : memref<256x4096xf32, #tpu.memory_space<vmem>>, vector<256x4096xf32>
    %convert_element_type3A = arith.truncf %get3A_1 : vector<256x4096xf32> to vector<256x4096xbf16>
    %get3A_2 = arith.constant 0 : index
    %get3A_3 = arith.constant 0 : index
    %get3A_4 = vector.load %arg2[%get3A_2, %get3A_3] : memref<4096x512xbf16, #tpu.memory_space<vmem>>, vector<4096x512xbf16>
    %dot_general3A = arith.constant dense<0.000000e+00> : vector<256x512xf32>
    %dot_general3A_5 = tpu.matmul %convert_element_type3A, %get3A_4, %dot_general3A {dimension_numbers = #tpu.dot_dimension_numbers<[1], [0], [0], [1], [0, 0, 1, 1], [], []>, transpose_lhs_hint = false} : vector<256x4096xbf16>, vector<4096x512xbf16>, vector<256x512xf32> -> vector<256x512xf32>
    %get3A_6 = arith.constant 0 : index
    %get3A_7 = arith.constant 0 : index
    %get3A_8 = vector.load %arg3[%get3A_6, %get3A_7] : memref<1x512xf32, #tpu.memory_space<vmem>>, vector<1x512xf32>
    %add3A = vector.broadcast %get3A_8 : vector<1x512xf32> to vector<256x512xf32>
    %add3A_9 = arith.addf %dot_general3A_5, %add3A : vector<256x512xf32>
    %get3A_10 = arith.constant 0 : index
    %get3A_11 = arith.constant 0 : index
    %get3A_12 = vector.load %arg4[%get3A_10, %get3A_11] : memref<256x1xf32, #tpu.memory_space<vmem>>, vector<256x1xf32>
    %mul3A = vector.broadcast %get3A_12 : vector<256x1xf32> to vector<256x512xf32>
    %mul3A_13 = arith.mulf %add3A_9, %mul3A : vector<256x512xf32>
    %swap3A = arith.constant 0 : index
    %swap3A_14 = arith.constant 0 : index
    %swap3A_15 = vector.load %arg6[%swap3A, %swap3A_14] : memref<256x512xf32, #tpu.memory_space<vmem>>, vector<256x512xf32>
    tpu.vector_store %arg6[%swap3A, %swap3A_14], %mul3A_13 {strides = array<i32>} : memref<256x512xf32, #tpu.memory_space<vmem>>, vector<256x512xf32>,
    return
  }
  func.func @transform_0(%arg0: i32) -> (i32, i32) {
    %c0_i32 = arith.constant 0 : i32
    %c0_i32_0 = arith.constant 0 : i32
    return %arg0, %c0_i32 : i32, i32
  }
  func.func @transform_1(%arg0: i32) -> (i32, i32) {
    %c0_i32 = arith.constant 0 : i32
    %c0_i32_0 = arith.constant 0 : i32
    %c0_i32_1 = arith.constant 0 : i32
    return %c0_i32, %c0_i32_0 : i32, i32
  }
  func.func @transform_2(%arg0: i32) -> (i32, i32) {
    %c0_i32 = arith.constant 0 : i32
    %c0_i32_0 = arith.constant 0 : i32
    %c0_i32_1 = arith.constant 0 : i32
    return %c0_i32, %c0_i32_0 : i32, i32
  }
  func.func @transform_3(%arg0: i32) -> (i32, i32) {
    %add3A = arith.constant 3 : i32
    %add3A_0 = arith.addi %add3A, %arg0 : i32
    %c0_i32 = arith.constant 0 : i32
    %c0_i32_1 = arith.constant 0 : i32
    return %add3A_0, %c0_i32 : i32, i32
  }
  func.func @transform_5(%arg0: i32) -> (i32, i32) {
    %add3A = arith.constant 3 : i32
    %add3A_0 = arith.addi %add3A, %arg0 : i32
    %c0_i32 = arith.constant 0 : i32
    %c0_i32_1 = arith.constant 0 : i32
    return %add3A_0, %c0_i32 : i32, i32
  }
}

module attributes {stable_mosaic.version = 14 : i64} {
  func.func @_mm_body(%arg0: i32, %arg1: memref<256x4096xf32, #tpu.memory_space<vmem>>, %arg2: memref<4096x512xbf16, #tpu.memory_space<vmem>>, %arg3: memref<1x512xf32, #tpu.memory_space<vmem>>, %arg4: memref<256x1xf32, #tpu.memory_space<vmem>>, %arg5: memref<2048x512xf32, #tpu.memory_space<any>>, %arg6: memref<256x512xf32, #tpu.memory_space<vmem>>) attributes {dimension_semantics = [#tpu.dimension_semantics<arbitrary>], iteration_bounds = array<i64: 2>, scalar_prefetch = 0 : i64, scratch_operands = 0 : i64, tpu.core_type = #tpu.core_type<tc>, window_params = [{transform_indices = @transform_0, window_bounds = array<i64: 256, 4096>}, {pipeline_mode = #tpu.pipeline_mode<synchronous>, transform_indices = @transform_1, window_bounds = array<i64: 4096, 512>}, {pipeline_mode = #tpu.pipeline_mode<synchronous>, transform_indices = @transform_2, window_bounds = array<i64: 1, 512>}, {transform_indices = @transform_3, window_bounds = array<i64: 256, 1>}, {}, {transform_indices = @transform_5, window_bounds = array<i64: 256, 512>}]} {
    %get3A = arith.constant 0 : index
    %get3A_0 = arith.constant 0 : index
    %get3A_1 = vector.load %arg1[%get3A, %get3A_0] : memref<256x4096xf32, #tpu.memory_space<vmem>>, vector<256x4096xf32>
    %convert_element_type3A = arith.truncf %get3A_1 : vector<256x4096xf32> to vector<256x4096xbf16>
    %get3A_2 = arith.constant 0 : index
    %get3A_3 = arith.constant 0 : index
    %get3A_4 = vector.load %arg2[%get3A_2, %get3A_3] : memref<4096x512xbf16, #tpu.memory_space<vmem>>, vector<4096x512xbf16>
    %dot_general3A = arith.constant dense<0.000000e+00> : vector<256x512xf32>
    %dot_general3A_5 = tpu.matmul %convert_element_type3A, %get3A_4, %dot_general3A {dimension_numbers = #tpu.dot_dimension_numbers<[1], [0], [0], [1], [0, 0, 1, 1], [], []>, transpose_lhs_hint = false} : vector<256x4096xbf16>, vector<4096x512xbf16>, vector<256x512xf32> -> vector<256x512xf32>
    %get3A_6 = arith.constant 0 : index
    %get3A_7 = arith.constant 0 : index
    %get3A_8 = vector.load %arg3[%get3A_6, %get3A_7] : memref<1x512xf32, #tpu.memory_space<vmem>>, vector<1x512xf32>
    %add3A = vector.broadcast %get3A_8 : vector<1x512xf32> to vector<256x512xf32>
    %add3A_9 = arith.addf %dot_general3A_5, %add3A : vector<256x512xf32>
    %get3A_10 = arith.constant 0 : index
    %get3A_11 = arith.constant 0 : index
    %get3A_12 = vector.load %arg4[%get3A_10, %get3A_11] : memref<256x1xf32, #tpu.memory_space<vmem>>, vector<256x1xf32>
    %mul3A = vector.broadcast %get3A_12 : vector<256x1xf32> to vector<256x512xf32>
    %mul3A_13 = arith.mulf %add3A_9, %mul3A : vector<256x512xf32>
    %swap3A = arith.constant 0 : index
    %swap3A_14 = arith.constant 0 : index
    %swap3A_15 = vector.load %arg6[%swap3A, %swap3A_14] : memref<256x512xf32, #tpu.memory_space<vmem>>, vector<256x512xf32>
    tpu.vector_store %arg6[%swap3A, %swap3A_14], %mul3A_13 {strides = array<i32>} : memref<256x512xf32, #tpu.memory_space<vmem>>, vector<256x512xf32>,
    return
  }
  func.func @transform_0(%arg0: i32) -> (i32, i32) {
    %c0_i32 = arith.constant 0 : i32
    %c0_i32_0 = arith.constant 0 : i32
    return %arg0, %c0_i32 : i32, i32
  }
  func.func @transform_1(%arg0: i32) -> (i32, i32) {
    %c0_i32 = arith.constant 0 : i32
    %c0_i32_0 = arith.constant 0 : i32
    %c0_i32_1 = arith.constant 0 : i32
    return %c0_i32, %c0_i32_0 : i32, i32
  }
  func.func @transform_2(%arg0: i32) -> (i32, i32) {
    %c0_i32 = arith.constant 0 : i32
    %c0_i32_0 = arith.constant 0 : i32
    %c0_i32_1 = arith.constant 0 : i32
    return %c0_i32, %c0_i32_0 : i32, i32
  }
  func.func @transform_3(%arg0: i32) -> (i32, i32) {
    %add3A = arith.constant 6 : i32
    %add3A_0 = arith.addi %add3A, %arg0 : i32
    %c0_i32 = arith.constant 0 : i32
    %c0_i32_1 = arith.constant 0 : i32
    return %add3A_0, %c0_i32 : i32, i32
  }
  func.func @transform_5(%arg0: i32) -> (i32, i32) {
    %add3A = arith.constant 6 : i32
    %add3A_0 = arith.addi %add3A, %arg0 : i32
    %c0_i32 = arith.constant 0 : i32
    %c0_i32_1 = arith.constant 0 : i32
    return %add3A_0, %c0_i32 : i32, i32
  }
}

</mosaic_0001>

<sc_bundles>
// kernel: kernel.12.cloned.1.call-start
scs
__scs_entry_jumppad:
0x0: {  	(pc) =	sbr.rel $0x88, $3  }
0x1: {  	(tag) =	ssettag $0x0;
	lr =	simm.s32 $0x1  }
0x2: {  	[smem:$0x3F9B] =	sst lr;
	_ =	strace $0xD0000000  }
0x3: {  	_ = 	snop  }
0x4: {  	_ = 	snop  }
0x5: {  	_ = 	snop  }
0x6: {  	_ = 	snop  }
0x7: {  	_ = 	snop  }
__scs_overlays_trampoline_lowered:
0x8: {  	[smem:$0x3FAA] =	sst s0  }
0x9: {  	[smem:$0x3FAB] =	sst s1  }
0xa: {  	[smem:$0x3FAC] =	sst s2  }
0xb: {  	[smem:$0x3FAD] =	sst s3  }
0xc: {  	[smem:$0x3FAE] =	sst s4  }
0xd: {  	[smem:$0x3FAF] =	sst s5  }
0xe: {  	[smem:$0x3FB0] =	sst s6  }
0xf: {  	[smem:$0x3FB1] =	sst s7  }
0x10: {  	[smem:$0x3FB2] =	sst s8  }
0x11: {  	[smem:$0x3FB3] =	sst s9;
	s0 =	simm.s32 @!p0 $0x0  }
0x12: {  	s1 =	sld [smem:$0x3F99];
	s0 =	simm.s32 @p0 $0x1  }
0x13: {  	[smem:$0x3FB4] =	sst s0;
	s0 =	simm.s32 @!p1 $0x0  }
0x14: {  	s2 =	sld [smem:$0x3F98];
	s0 =	simm.s32 @p1 $0x1  }
0x15: {  	[smem:$0x3FB5] =	sst s0;
	s0 =	simm.s32 @!p2 $0x0  }
0x16: {  	s3 =	sld [smem:$0x3FDB];
	s0 =	simm.s32 @p2 $0x1  }
0x17: {  	s4 =	simm.s32 $0x1BF5;
	[smem:$0x3FB7] =	sst s0  }
0x18: {  	s0 =	sld [smem:$0x3F9A];
	_ =	swait.ge [sflag:s4], $0x0  }
0x19: {  	s7 =	sld [smem:$0x3F9B]  }
0x1a: {  	s8 =	sadd.s32 $0xFFFFE003, lr  }
0x1b: {  	s9 =	sadd.s32 $0xFFFFFEF7, lr;
	s5 =	simm.s32 $0xFFFFFFFF;
	p2 =	slt.u32 s8, $0xFFFFF086  }
0x1c: {  	p1 =	slt.u32 s9, $0xF7A;
	s5 =	simm.s32 @!p2 $0x0  }
0x1d: {  	s5 =	simm.s32 @p1 $0x1;
	p0 =	seq.s32 s7, s2  }
0x1e: {  	s7 =	smul.u32 @!p0 $0xF7A, s2;
	p2 =	seq.s32 @!p0 s5, $0x0  }
0x1f: {  	s9 =	smul.u32 $0xF7A, s1;
	s8 =	simm.s32 @!p0 $0x1BF5;
	p2 =	por !p2, p0  }
0x20: {  	[sflag:s8] =	ssyncset.s32 @!p0 $0xFFFFF086;
	s6 =	sadd.s32 @!p0 s3, s7;
	s7 =	simm.s32 @!p0 $0x108  }
0x21: {  	s3 =	sadd.s32 s3, s9;
	s6 =	sadd.s32 @!p0 $0x88, s6;
	s7 =	simm.s32 @p2 $0x1082  }
0x22: {  	[simem:s7], [sflag:s8] =	dma.local @!p0 [hbm:s6], $0xF7A  }
0x23: {  	s9 =	sor.u32 $0xD0000000, s2;
	s6 =	simm.s32 $0x108;
	_ =	swait.ge @!p0 [sflag:s8], $0x0  }
0x24: {  	s3 =	sadd.s32 $0x88, s3;
	s6 =	simm.s32 @!p1 $0x1082;
	[sflag:s4] =	ssyncset.s32 $0xFFFFF086  }
0x25: {  	[simem:s6], [sflag:s4] =	dma.local [hbm:s3], $0xF7A  }
0x26: {  	[smem:$0x3F9B] =	sst s1;
	(tag) =	ssettag s2;
	_ =	strace s9  }
0x27: {  	s1 =	sld [smem:$0x3FAB]  }
0x28: {  	s2 =	sld [smem:$0x3FAC]  }
0x29: {  	s4 =	sld [smem:$0x3FAE]  }
0x2a: {  	p0 =	seq.s32 s5, $0x0;
	s5 =	sld [smem:$0x3FAF]  }
0x2b: {  	s6 =	sld [smem:$0x3FB0]  }
0x2c: {  	s7 =	sld [smem:$0x3FB1]  }
0x2d: {  	s3 =	simm.s32 $0x108;
	s8 =	sld [smem:$0x3FB2]  }
0x2e: {  	s3 =	simm.s32 @!p0 $0x1082;
	s9 =	sld [smem:$0x3FB3]  }
0x2f: {  	lr =	sadd.s32 s0, s3;
	s0 =	sld [smem:$0x3FAA]  }
0x30: {  	s3 =	sld [smem:$0x3FAD]  }
0x31: {  	[smem:$0x3FB6] =	sst s10  }
0x32: {  	s10 =	sld [smem:$0x3FB4];
	_ =	sdelay $0x3  }
0x33: {  	p0 =	seq.s32 s10, $0x1;
	s10 =	sld [smem:$0x3FB6];
	_ =	sdelay $0x3  }
0x34: {  	[smem:$0x3FB6] =	sst s10  }
0x35: {  	s10 =	sld [smem:$0x3FB5];
	_ =	sdelay $0x3  }
0x36: {  	p1 =	seq.s32 s10, $0x1;
	s10 =	sld [smem:$0x3FB6];
	_ =	sdelay $0x3  }
0x37: {  	[smem:$0x3FB6] =	sst s10  }
0x38: {  	s10 =	sld [smem:$0x3FB7]  }
0x39: {  	_ = 	snop;
	(pc) =	sbr.ind lr, $3  }
0x3a: {  	_ = 	snop  }
0x3b: {  	_ = 	snop  }
0x3c: {  	p2 =	seq.s32 s10, $0x1;
	s10 =	sld [smem:$0x3FB6]  }
0x3d: {  	_ =	shalt  }
0x3e: {  	_ =	shalt  }
0x3f: {  	_ =	shalt  }
0x40: {  	_ =	shalt  }
0x41: {  	_ =	shalt  }
0x42: {  	_ =	shalt  }
0x43: {  	_ =	shalt  }
0x44: {  	_ =	shalt  }
0x45: {  	_ =	shalt  }
0x46: {  	_ =	shalt  }
0x47: {  	_ =	shalt  }
0x48: {  	_ =	shalt  }
0x49: {  	_ =	shalt  }
0x4a: {  	_ =	shalt  }
0x4b: {  	_ =	shalt  }
0x4c: {  	_ =	shalt  }
0x4d: {  	_ =	shalt  }
0x4e: {  	_ =	shalt  }
0x4f: {  	_ =	shalt  }
0x50: {  	_ =	shalt  }
0x51: {  	_ =	shalt  }
0x52: {  	_ =	shalt  }
0x53: {  	_ =	shalt  }
0x54: {  	_ =	shalt  }
0x55: {  	_ =	shalt  }
0x56: {  	_ =	shalt  }
0x57: {  	_ =	shalt  }
0x58: {  	_ =	shalt  }
0x59: {  	_ =	shalt  }
0x5a: {  	_ =	shalt  }
0x5b: {  	_ =	shalt  }
0x5c: {  	_ =	shalt  }
0x5d: {  	_ =	shalt  }
0x5e: {  	_ =	shalt  }
0x5f: {  	_ =	shalt  }
0x60: {  	_ =	shalt  }
0x61: {  	_ =	shalt  }
0x62: {  	_ =	shalt  }
0x63: {  	_ =	shalt  }
0x64: {  	_ =	shalt  }
0x65: {  	_ =	shalt  }
0x66: {  	_ =	shalt  }
0x67: {  	_ =	shalt  }
0x68: {  	_ =	shalt  }
0x69: {  	_ =	shalt  }
0x6a: {  	_ =	shalt  }
0x6b: {  	_ =	shalt  }
0x6c: {  	_ =	shalt  }
0x6d: {  	_ =	shalt  }
0x6e: {  	_ =	shalt  }
0x6f: {  	_ =	shalt  }
0x70: {  	_ =	shalt  }
0x71: {  	_ =	shalt  }
0x72: {  	_ =	shalt  }
0x73: {  	_ =	shalt  }
0x74: {  	_ =	shalt  }
0x75: {  	_ =	shalt  }
0x76: {  	_ =	shalt  }
0x77: {  	_ =	shalt  }
0x78: {  	_ =	shalt  }
0x79: {  	_ =	shalt  }
0x7a: {  	_ =	shalt  }
0x7b: {  	_ =	shalt  }
0x7c: {  	_ =	shalt  }
0x7d: {  	_ =	shalt  }
0x7e: {  	_ =	shalt  }
0x7f: {  	_ =	shalt  }
0x80: {  	_ =	shalt  }
0x81: {  	_ =	shalt  }
0x82: {  	_ =	shalt  }
0x83: {  	_ =	shalt  }
0x84: {  	_ =	shalt  }
0x85: {  	_ =	shalt  }
0x86: {  	_ =	shalt  }
0x87: {  	_ =	shalt  }
.Lfunc_end0:
.L_simem_size_0:
called_computation.1_lowered:
.L_overlay_start_0:
0x88: {  	s2 =	sld [smem:$0x3FD9]  }
0x89: {  	s3 =	sld [smem:$0x3FFE];
	_ =	sdelay $0x1  }
0x8a: {  	s1 =	srdreg.scid  }
0x8b: {  	s0 =	sand.u32 $0x1, s1  }
0x8c: {  	s17 =	sshll.u32 s0, $0xA;
	s2 =	sadd.s32 s3, s2  }
0x8d: {  	s2 =	sadd.s32 s2, s17  }
0x8e: {  	[smem:$0x3FC2] =	sst s2  }
0x8f: {  	_ = 	snop  }
0x90: {  	s18 =	sld [smem:$0x3FC9]  }
0x91: {  	s4 =	sld [smem:$0x3FC7];
	(tm) =	ssettm $0x1  }
0x92: {  	s19 =	sld [smem:$0x3FFB];
	_ =	sdelay $0x3  }
0x93: {  	_ =	strace s19  }
0x94: {  	s2 =	sld [smem:$0x3FFC];
	_ =	sdelay $0x3  }
0x95: {  	_ =	strace s2  }
0x96: {  	s2 =	sld [smem:$0x3FFD];
	_ =	sdelay $0x3  }
0x97: {  	_ =	strace s2  }
0x98: {  	_ =	strace $0x8FFFFFFF  }
0x99: {  	s20 =	sld [smem:$0x3FDB];
	_ =	sdelay $0x1  }
0x9a: {  	s5 =	simm.s32 $_scs_section_size  }
0x9b: {  	s6 =	simm.s32 $_size__tile_overlayer_lowered;
	s7 =	simm.s32 $_tile_overlayer_lowered  }
0x9c: {  	s8 =	simm.s32 $0x1BFF;
	s21 =	sshll.u32 s7, $0x1;
	s5 =	sadd.s32 s5, s20  }
0x9d: {  	s22 =	simm.s32 $0x0;
	s6 =	sshll.u32 s6, $0x1;
	s7 =	sadd.s32 s21, s5  }
0x9e: {  	[timem:s22], [sflag:s8] =	dma.local [hbm:s7], s6  }
0x9f: {  	_ =	swait.ge [sflag:s8], s6  }
0xa0: {  	s6 =	ssub.s32 $0x0, s6;
	[sflag:s8] =	ssyncset.done $0x0  }
0xa1: {  	[sflag:s8] =	ssyncadd.s32 s6;
	_ =	sdelay $0x1  }
0xa2: {  	s23 =	simm.s32 $0x1B8B  }
0xa3: {  	_ =	swait.ge [sflag:s23], $0x1  }
0xa4: {  	[sflag:s23] =	ssyncset.done $0x0  }
0xa5: {  	[sflag:s23] =	ssyncadd.s32 $0xFFFFFFFF  }
0xa6: {  	s6 =	sld [smem:$0x0]  }
0xa7: {  	s7 =	sand.u32 $0xFFFFFFFE, s1  }
0xa8: {  	p0 =	sne.s32 s1, s7  }
0xa9: {  	s7 =	sshll.u32 @p0 s7, $0xE  }
0xaa: {  	s7 =	sadd.s32 @p0 $0x11B8D, s7;
	s8 =	sshll.u32 @p0 s6, $0x11  }
0xab: {  	s7 =	sor.u32 @p0 s8, s7  }
0xac: {  	[sflag:s7] =	ssyncadd.remote.s32 @p0 $0x1;
	_ =	sdelay $0x1  }
0xad: {  	s7 =	simm.s32 @p0 $0x1B8D  }
0xae: {  	_ =	swait.eq @p0 [sflag:s7], $0x1  }
0xaf: {  	[sflag:s7] =	ssyncadd.s32 @p0 $0xFFFFFFFF  }
0xb0: {  	s8 =	sshll.u32 @!p0 s1, $0xE  }
0xb1: {  	s8 =	sor.u32 @!p0 $0x4000, s8;
	s7 =	simm.s32 @!p0 $0x1B8D  }
0xb2: {  	s6 =	sshll.u32 @!p0 s6, $0x11;
	s8 =	sadd.s32 @!p0 $0x11B8D, s8;
	_ =	swait.eq @!p0 [sflag:s7], $0x1  }
0xb3: {  	s6 =	sor.u32 @!p0 s6, s8;
	[sflag:s7] =	ssyncadd.s32 @!p0 $0xFFFFFFFF  }
0xb4: {  	s25 =	simm.s32 $0x1B8E;
	s24 =	sld [smem:$0x3FFE];
	[sflag:s6] =	ssyncadd.remote.s32 @!p0 $0x1  }
0xb5: {  	s26 =	simm.s32 $execute0_lowered;
	[smem:$0x3FD2] =	sst s25  }
0xb6: {  	s7 =	sshll.u32 s26, $0x1;
	_ =	strace $0x80000049;
	[dreg:$0x1] =	wrdreg $0xFFFFFFFF  }
0xb7: {  	s28 =	simm.s32 $_size_execute0_lowered;
	s5 =	sadd.s32 s5, s7;
	[dreg:$0x0] =	wrdreg $0x0  }
0xb8: {  	s7 =	sshll.u32 s28, $0x1;
	[dreg:$0x2] =	wrdreg s5  }
0xb9: {  	[dreg:$0x3] =	wrdreg s7  }
0xba: {  	[dreg:$0x4] =	wrdreg $0xC0  }
0xbb: {  	_ =	task [dreg:s22], $0x5FFFF  }
0xbc: {  	[dreg:$0x1] =	wrdreg $0xFFFFFFFF  }
0xbd: {  	[dreg:$0x0] =	wrdreg $0x60  }
0xbe: {  	[dreg:$0x2] =	wrdreg s18  }
0xbf: {  	[dreg:$0x3] =	wrdreg s4  }
0xc0: {  	[dreg:$0x4] =	wrdreg s24  }
0xc1: {  	[dreg:$0x5] =	wrdreg $0xA  }
0xc2: {  	_ =	task.clear_ibuf [dreg:s22], $0x6FFFF;
	_ =	strace $0x90000049  }
0xc3: {  	s29 =	simm.s32 $0xA;
	_ =	strace $0x8000004B  }
0xc4: {  	_ =	swait.ge [sflag:s29], $0x1  }
0xc5: {  	[sflag:s29] =	ssyncadd.s32 $0xFFFFFFFF  }
0xc6: {  	_ =	strace $0x9000004B  }
0xc7: {  	_ =	sfence  }
0xc8: {  	s30 =	sld [smem:$0x0];
	_ =	sdelay $0x2  }
0xc9: {  	s31 =	sshll.u32 s1, $0xD;
	s1 =	sshrl.u32 s1, $0x2  }
0xca: {  	s4 =	sand.u32 $0x4000, s31;
	s1 =	sadd.s32 s1, s30  }
0xcb: {  	s0 =	sor.u32 s4, s0;
	s1 =	sshll.u32 s1, $0x11  }
0xcc: {  	s0 =	sor.u32 s1, s0  }
0xcd: {  	s0 =	sadd.s32 $0x8F2B, s0  }
0xce: {  	[sflag:s0] =	ssyncadd.remote.s32 $0x1  }
0xcf: {  	_ =	sfence.sel $0xFFFF  }
0xd0: {  	[dreg:$0x0] =	wrdreg $0xFFFFFFFF;
	(pc) =	sbr.abs _section_cstart, $3  }
0xd1: {  	[dreg:$0x1] =	wrdreg $0xFFFFFFFF  }
0xd2: {  	_ =	task.clear_ibuf [dreg:s22], $0x2FFFF;
	_ =	strace $0x9FFFFFFF  }
0xd3: {  	(tm) =	ssettm $0x7FFFFFFF  }
tec
execute0_lowered:
.L_overlay_start_1:
0x0: {  	(tag) =	ssettag $0x1  }
0x1: {  	s1 =	rddreg [dreg:$0x0]  }
0x2: {  	s0 =	srdreg.scid;
	s3 =	stileid.u32  }
0x3: {  	s2 =	rddreg [dreg:$0x1];
	s0 =	sand.u32 $0x1, s0;
	s3 =	sshll.u32 s3, $0x1  }
0x4: {  	s4 =	rddreg [dreg:$0x2];
	s5 =	sor.u32 s0, s3;
	s3 =	simm.s32 $0x0  }
0x5: {  	s15 =	sadd.s32 $0x100, s1;
	[smem:$0x7FF] =	sst s3  }
0x6: {  	s17 =	sadd.s32 $0x200, s1;
	_ =	strace $0x8000004A;
	[dreg:$0x17] =	wrdreg s15  }
0x7: {  	s18 =	sadd.s32 $0x300, s1;
	[dreg:$0x18] =	wrdreg s17  }
0x8: {  	s19 =	sadd.s32 $0x400, s1;
	[dreg:$0x19] =	wrdreg s18  }
0x9: {  	s20 =	sadd.s32 $0x500, s1;
	[dreg:$0x1a] =	wrdreg s19  }
0xa: {  	s25 =	simm.s32 $0x8880;
	s22 =	sadd.s32 $0x600, s1;
	[dreg:$0x1b] =	wrdreg s20  }
0xb: {  	s11 =	simm.s32 $0xA880;
	s24 =	sadd.s32 $0x700, s1;
	[dreg:$0x1c] =	wrdreg s22  }
0xc: {  	s26 =	sadd.s32 $0x800, s1;
	s6 =	smul.u32 $0x18, s5;
	[dreg:$0x1d] =	wrdreg s24  }
0xd: {  	s12 =	simm.s32 $0xB080;
	s7 =	smul.u32 $0x18000, s5;
	[dreg:$0x1e] =	wrdreg s26  }
0xe: {  	s16 =	smul.u32 $0x3000, s5;
	s5 =	simm.s32 $0x9080;
	[dreg:$0x8] =	wrdreg s25  }
0xf: {  	s13 =	simm.s32 $0xB880;
	s30 =	simm.s32 $0x3;
	[dreg:$0x9] =	wrdreg s5  }
0x10: {  	s28 =	simm.s32 $0x2880;
	s0 =	ssub.s32 $0x2, s0;
	[dreg:$0xc] =	wrdreg s11  }
0x11: {  	s29 =	simm.s32 $0x3880;
	s14 =	sshrl.u32 s0, $0x1;
	[dreg:$0xd] =	wrdreg s12  }
0x12: {  	s0 =	ssub.s32 s0, s14;
	[dreg:$0xe] =	wrdreg s13;
	s14 =	simm.s32 $0xC080  }
0x13: {  	s31 =	simm.s32 $0x4080;
	s15 =	simm.s32 $0xC880;
	[dreg:$0xf] =	wrdreg s14  }
0x14: {  	s8 =	sadd.s32 $0x61A00, s4;
	s20 =	simm.s32 $0xD080;
	[dreg:$0x10] =	wrdreg s15  }
0x15: {  	s4 =	simm.s32 $0x80;
	s22 =	simm.s32 $0xE080;
	[dreg:$0x11] =	wrdreg s20  }
0x16: {  	s17 =	sadd.s32 $0xE00, s1;
	s24 =	simm.s32 $0xE880;
	[dreg:$0x13] =	wrdreg s22  }
0x17: {  	s18 =	sadd.s32 $0xF00, s1;
	s25 =	simm.s32 $0xF080;
	[dreg:$0x14] =	wrdreg s24  }
0x18: {  	s26 =	simm.s32 $0xF880;
	s6 =	sshrl.u32 s6, $0x3;
	[dreg:$0x15] =	wrdreg s25  }
0x19: {  	s9 =	sshrl.u32 s7, $0x3;
	s7 =	simm.s32 $0x9880;
	[dreg:$0x16] =	wrdreg s26  }
0x1a: {  	s2 =	sadd.s32 s2, s6;
	s6 =	sadd.s32 $0x900, s1;
	[dreg:$0xa] =	wrdreg s7  }
0x1b: {  	s10 =	sadd.s32 s8, s9;
	s9 =	simm.s32 $0xA080;
	[dreg:$0x1f] =	wrdreg s6  }
0x1c: {  	s19 =	smax.u32 s0, $0x1;
	s2 =	sadd.s32 $0x60, s2;
	[dreg:$0xb] =	wrdreg s9  }
0x1d: {  	s26 =	simm.s32 $0x1;
	s21 =	sadd.s32 $0x1000, s10;
	[dreg:$0x4] =	wrdreg s2  }
0x1e: {  	s24 =	simm.s32 $0x1880;
	s23 =	sadd.s32 $0x2000, s10;
	[dreg:$0x6] =	wrdreg s21  }
0x1f: {  	s25 =	simm.s32 $0x2080;
	s10 =	sadd.s32 $0xB00, s1;
	[dreg:$0x7] =	wrdreg s23  }
0x20: {  	s22 =	simm.s32 $0x5880;
	s2 =	sadd.s32 s8, s16;
	[smem:$0x7FD] =	sst s10  }
0x21: {  	v0 =	vlaneseq.u32;
	s15 =	simm.s32 $0x8080;
	s8 =	sadd.s32 $0xA00, s1;
	[dreg:$0x5] =	wrdreg s2  }
0x22: {  	v1 =	vshrl.u32 v0, $0x3;
	s23 =	sadd.s32 $0xC00, s1;
	s21 =	simm.s32 $0xD880;
	[smem:$0x7FC] =	sst s8  }
0x23: {  	vm0 =	vmmov $0xffff;
	v0 =	vand.u32 $0x7, v0;
	v1 =	vmul.u32 $0x8, v1;
	s16 =	sadd.s32 $0xD00, s1;
	[dreg:$0x12] =	wrdreg s21;
	s21 =	simm.s32 $0x5080  }
.LBB2_1:
0x24: {  	s2 =	rddreg [dreg:$0x4];
	s0 =	simm.s32 $0x5  }
0x25: {  	[tilespmem:s3], [sflag:$0x5] =	stream.linear.gather [hbm4b:s2+s3], $0x18, $0x38;
	[tilespmem:$0x10080] =	vst v63  }
0x26: {  	_ =	swait.ge [sflag:s0], $0x18  }
0x27: {  	[sflag:s0] =	ssyncset.done $0x0  }
0x28: {  	[sflag:s0] =	ssyncadd.s32 $0xFFFFFFE8  }
0x29: {  	v2 =	vld.msk [tilespmem:$0x0], $0xff;
	_ =	sdelay $0x4  }
0x2a: {  	v3 =	vshll.u32 v2, $0x5  }
0x2b: {  	v2 =	vand.u32 $0x7, v2;
	v3 =	vand.u32 $0xFFFFFF00, v3  }
0x2c: {  	v2 =	vor.u32 v2, v3  }
0x2d: {  	v2 =	vperm.xlane v2, v0;
	_ =	sdelay $0x1  }
0x2e: {  	v2 =	vadd.s32 v1, v2;
	_ =	sdelay $0x2  }
0x2f: {  	s5 =	rddreg [dreg:$0x17]  }
0x30: {  	s20 =	rddreg [dreg:$0x0]  }
0x31: {  	[tilespmem:s4], [sflag:$0x1] =	stream.indirect_vreg.gather [hbm4b:s20+s3], $0x80, v2, vm0, $0xb8;
	[tilespmem:$0x10080] =	vst v63  }
0x32: {  	s12 =	simm.s32 $0x880;
	s6 =	rddreg [dreg:$0x18]  }
0x33: {  	[tilespmem:s12], [sflag:$0x1] =	stream.indirect_vreg.gather [hbm4b:s5+s3], $0x80, v2, vm0, $0xb8;
	[tilespmem:$0x10080] =	vst v63  }
0x34: {  	s13 =	simm.s32 $0x1080;
	s7 =	rddreg [dreg:$0x19]  }
0x35: {  	[tilespmem:s13], [sflag:$0x1] =	stream.indirect_vreg.gather [hbm4b:s6+s3], $0x80, v2, vm0, $0xb8;
	[tilespmem:$0x10080] =	vst v63  }
0x36: {  	s8 =	rddreg [dreg:$0x1a]  }
0x37: {  	[tilespmem:s24], [sflag:$0x1] =	stream.indirect_vreg.gather [hbm4b:s7+s3], $0x80, v2, vm0, $0xb8;
	[tilespmem:$0x10080] =	vst v63  }
0x38: {  	s9 =	rddreg [dreg:$0x1b]  }
0x39: {  	[tilespmem:s25], [sflag:$0x1] =	stream.indirect_vreg.gather [hbm4b:s8+s3], $0x80, v2, vm0, $0xb8;
	[tilespmem:$0x10080] =	vst v63  }
0x3a: {  	s10 =	rddreg [dreg:$0x1c]  }
0x3b: {  	[tilespmem:s28], [sflag:$0x1] =	stream.indirect_vreg.gather [hbm4b:s9+s3], $0x80, v2, vm0, $0xb8;
	[tilespmem:$0x10080] =	vst v63  }
0x3c: {  	s14 =	simm.s32 $0x3080;
	s11 =	rddreg [dreg:$0x1d]  }
0x3d: {  	[tilespmem:s14], [sflag:$0x1] =	stream.indirect_vreg.gather [hbm4b:s10+s3], $0x80, v2, vm0, $0xb8;
	[tilespmem:$0x10080] =	vst v63  }
0x3e: {  	s12 =	rddreg [dreg:$0x1e]  }
0x3f: {  	[tilespmem:s29], [sflag:$0x1] =	stream.indirect_vreg.gather [hbm4b:s11+s3], $0x80, v2, vm0, $0xb8;
	[tilespmem:$0x10080] =	vst v63  }
0x40: {  	s13 =	rddreg [dreg:$0x1f]  }
0x41: {  	[tilespmem:s31], [sflag:$0x1] =	stream.indirect_vreg.gather [hbm4b:s12+s3], $0x80, v2, vm0, $0xb8;
	[tilespmem:$0x10080] =	vst v63  }
0x42: {  	s1 =	simm.s32 $0x4880;
	s14 =	sld [smem:$0x7FC]  }
0x43: {  	[tilespmem:s1], [sflag:$0x1] =	stream.indirect_vreg.gather [hbm4b:s13+s3], $0x80, v2, vm0, $0xb8;
	[tilespmem:$0x10080] =	vst v63  }
0x44: {  	s1 =	sld [smem:$0x7FD]  }
0x45: {  	[tilespmem:s21], [sflag:$0x1] =	stream.indirect_vreg.gather [hbm4b:s14+s3], $0x80, v2, vm0, $0xb8;
	[tilespmem:$0x10080] =	vst v63  }
0x46: {  	_ = 	snop  }
0x47: {  	[tilespmem:s22], [sflag:$0x1] =	stream.indirect_vreg.gather [hbm4b:s1+s3], $0x80, v2, vm0, $0xb8;
	[tilespmem:$0x10080] =	vst v63  }
0x48: {  	s2 =	simm.s32 $0x6080  }
0x49: {  	[tilespmem:s2], [sflag:$0x1] =	stream.indirect_vreg.gather [hbm4b:s23+s3], $0x80, v2, vm0, $0xb8;
	[tilespmem:$0x10080] =	vst v63  }
0x4a: {  	s2 =	simm.s32 $0x6880  }
0x4b: {  	[tilespmem:s2], [sflag:$0x1] =	stream.indirect_vreg.gather [hbm4b:s16+s3], $0x80, v2, vm0, $0xb8;
	[tilespmem:$0x10080] =	vst v63  }
0x4c: {  	s2 =	simm.s32 $0x7080  }
0x4d: {  	[tilespmem:s2], [sflag:$0x1] =	stream.indirect_vreg.gather [hbm4b:s17+s3], $0x80, v2, vm0, $0xb8;
	[tilespmem:$0x10080] =	vst v63  }
0x4e: {  	s2 =	simm.s32 $0x7880  }
0x4f: {  	[tilespmem:s2], [sflag:$0x1] =	stream.indirect_vreg.gather [hbm4b:s18+s3], $0x80, v2, vm0, $0xb8;
	[tilespmem:$0x10080] =	vst v63  }
0x50: {  	_ =	swait.ge [sflag:s26], $0x8000  }
0x51: {  	[sflag:s26] =	ssyncset.done $0x0  }
0x52: {  	[sflag:s26] =	ssyncadd.s32 $0xFFFF8000  }
0x53: {  	v2 =	vld.msk [tilespmem:$0x8], $0xff;
	_ =	sdelay $0x4  }
0x54: {  	v3 =	vshll.u32 v2, $0x5  }
0x55: {  	v2 =	vand.u32 $0x7, v2;
	v3 =	vand.u32 $0xFFFFFF00, v3  }
0x56: {  	v2 =	vor.u32 v2, v3  }
0x57: {  	v2 =	vperm.xlane v2, v0;
	_ =	sdelay $0x1  }
0x58: {  	v2 =	vadd.s32 v1, v2;
	_ =	sdelay $0x4  }
0x59: {  	[tilespmem:s15], [sflag:$0x2] =	stream.indirect_vreg.gather [hbm4b:s20+s3], $0x80, v2, vm0, $0xb8;
	[tilespmem:$0x10080] =	vst v63  }
0x5a: {  	s2 =	rddreg [dreg:$0x8]  }
0x5b: {  	[tilespmem:s2], [sflag:$0x2] =	stream.indirect_vreg.gather [hbm4b:s5+s3], $0x80, v2, vm0, $0xb8;
	[tilespmem:$0x10080] =	vst v63  }
0x5c: {  	s0 =	rddreg [dreg:$0x9]  }
0x5d: {  	[tilespmem:s0], [sflag:$0x2] =	stream.indirect_vreg.gather [hbm4b:s6+s3], $0x80, v2, vm0, $0xb8;
	[tilespmem:$0x10080] =	vst v63  }
0x5e: {  	s2 =	rddreg [dreg:$0xa]  }
0x5f: {  	[tilespmem:s2], [sflag:$0x2] =	stream.indirect_vreg.gather [hbm4b:s7+s3], $0x80, v2, vm0, $0xb8;
	[tilespmem:$0x10080] =	vst v63  }
0x60: {  	s0 =	rddreg [dreg:$0xb]  }
0x61: {  	[tilespmem:s0], [sflag:$0x2] =	stream.indirect_vreg.gather [hbm4b:s8+s3], $0x80, v2, vm0, $0xb8;
	[tilespmem:$0x10080] =	vst v63  }
0x62: {  	s2 =	rddreg [dreg:$0xc]  }
0x63: {  	[tilespmem:s2], [sflag:$0x2] =	stream.indirect_vreg.gather [hbm4b:s9+s3], $0x80, v2, vm0, $0xb8;
	[tilespmem:$0x10080] =	vst v63  }
0x64: {  	s0 =	rddreg [dreg:$0xd]  }
0x65: {  	[tilespmem:s0], [sflag:$0x2] =	stream.indirect_vreg.gather [hbm4b:s10+s3], $0x80, v2, vm0, $0xb8;
	[tilespmem:$0x10080] =	vst v63  }
0x66: {  	s2 =	rddreg [dreg:$0xe]  }
0x67: {  	[tilespmem:s2], [sflag:$0x2] =	stream.indirect_vreg.gather [hbm4b:s11+s3], $0x80, v2, vm0, $0xb8;
	[tilespmem:$0x10080] =	vst v63  }
0x68: {  	s0 =	rddreg [dreg:$0xf]  }
0x69: {  	[tilespmem:s0], [sflag:$0x2] =	stream.indirect_vreg.gather [hbm4b:s12+s3], $0x80, v2, vm0, $0xb8;
	[tilespmem:$0x10080] =	vst v63  }
0x6a: {  	s2 =	rddreg [dreg:$0x10]  }
0x6b: {  	[tilespmem:s2], [sflag:$0x2] =	stream.indirect_vreg.gather [hbm4b:s13+s3], $0x80, v2, vm0, $0xb8;
	[tilespmem:$0x10080] =	vst v63  }
0x6c: {  	s0 =	rddreg [dreg:$0x11]  }
0x6d: {  	[tilespmem:s0], [sflag:$0x2] =	stream.indirect_vreg.gather [hbm4b:s14+s3], $0x80, v2, vm0, $0xb8;
	[tilespmem:$0x10080] =	vst v63  }
0x6e: {  	s2 =	rddreg [dreg:$0x12]  }
0x6f: {  	[tilespmem:s2], [sflag:$0x2] =	stream.indirect_vreg.gather [hbm4b:s1+s3], $0x80, v2, vm0, $0xb8;
	[tilespmem:$0x10080] =	vst v63  }
0x70: {  	s0 =	rddreg [dreg:$0x13]  }
0x71: {  	[tilespmem:s0], [sflag:$0x2] =	stream.indirect_vreg.gather [hbm4b:s23+s3], $0x80, v2, vm0, $0xb8;
	[tilespmem:$0x10080] =	vst v63  }
0x72: {  	s2 =	rddreg [dreg:$0x14]  }
0x73: {  	[tilespmem:s2], [sflag:$0x2] =	stream.indirect_vreg.gather [hbm4b:s16+s3], $0x80, v2, vm0, $0xb8;
	[tilespmem:$0x10080] =	vst v63  }
0x74: {  	s0 =	rddreg [dreg:$0x15]  }
0x75: {  	[tilespmem:s0], [sflag:$0x2] =	stream.indirect_vreg.gather [hbm4b:s17+s3], $0x80, v2, vm0, $0xb8;
	[tilespmem:$0x10080] =	vst v63  }
0x76: {  	s2 =	rddreg [dreg:$0x16]  }
0x77: {  	[tilespmem:s2], [sflag:$0x2] =	stream.indirect_vreg.gather [hbm4b:s18+s3], $0x80, v2, vm0, $0xb8;
	[tilespmem:$0x10080] =	vst v63  }
0x78: {  	s0 =	rddreg [dreg:$0x5];
	s2 =	simm.s32 $0x2  }
0x79: {  	[hbm4b:s0+s3] =	stream.linear.scatter [tilespmem:s4], [sflag:$0x3], $0x8000, $0x38;
	[tilespmem:$0x10080] =	vst v63  }
0x7a: {  	_ =	swait.ge [sflag:s2], $0x8000  }
0x7b: {  	[sflag:s2] =	ssyncset.done $0x0  }
0x7c: {  	[sflag:s2] =	ssyncadd.s32 $0xFFFF8000  }
0x7d: {  	_ =	swait.ge [sflag:s30], $0x8000  }
0x7e: {  	[sflag:s30] =	ssyncset.done $0x0  }
0x7f: {  	[sflag:s30] =	ssyncadd.s32 $0xFFFF8000  }
0x80: {  	v2 =	vld.msk [tilespmem:$0x10], $0xff;
	_ =	sdelay $0x4  }
0x81: {  	v3 =	vshll.u32 v2, $0x5  }
0x82: {  	v2 =	vand.u32 $0x7, v2;
	v3 =	vand.u32 $0xFFFFFF00, v3  }
0x83: {  	v2 =	vor.u32 v2, v3  }
0x84: {  	v2 =	vperm.xlane v2, v0;
	_ =	sdelay $0x1  }
0x85: {  	v2 =	vadd.s32 v1, v2;
	_ =	sdelay $0x4  }
0x86: {  	[tilespmem:s4], [sflag:$0x1] =	stream.indirect_vreg.gather [hbm4b:s20+s3], $0x80, v2, vm0, $0xb8;
	[tilespmem:$0x10080] =	vst v63  }
0x87: {  	s2 =	simm.s32 $0x880  }
0x88: {  	[tilespmem:s2], [sflag:$0x1] =	stream.indirect_vreg.gather [hbm4b:s5+s3], $0x80, v2, vm0, $0xb8;
	[tilespmem:$0x10080] =	vst v63  }
0x89: {  	s5 =	simm.s32 $0x1080  }
0x8a: {  	[tilespmem:s5], [sflag:$0x1] =	stream.indirect_vreg.gather [hbm4b:s6+s3], $0x80, v2, vm0, $0xb8;
	[tilespmem:$0x10080] =	vst v63  }
0x8b: {  	_ = 	snop  }
0x8c: {  	[tilespmem:s24], [sflag:$0x1] =	stream.indirect_vreg.gather [hbm4b:s7+s3], $0x80, v2, vm0, $0xb8;
	[tilespmem:$0x10080] =	vst v63  }
0x8d: {  	_ = 	snop  }
0x8e: {  	[tilespmem:s25], [sflag:$0x1] =	stream.indirect_vreg.gather [hbm4b:s8+s3], $0x80, v2, vm0, $0xb8;
	[tilespmem:$0x10080] =	vst v63  }
0x8f: {  	_ = 	snop  }
0x90: {  	[tilespmem:s28], [sflag:$0x1] =	stream.indirect_vreg.gather [hbm4b:s9+s3], $0x80, v2, vm0, $0xb8;
	[tilespmem:$0x10080] =	vst v63  }
0x91: {  	s7 =	simm.s32 $0x3080  }
0x92: {  	[tilespmem:s7], [sflag:$0x1] =	stream.indirect_vreg.gather [hbm4b:s10+s3], $0x80, v2, vm0, $0xb8;
	[tilespmem:$0x10080] =	vst v63  }
0x93: {  	_ = 	snop  }
0x94: {  	[tilespmem:s29], [sflag:$0x1] =	stream.indirect_vreg.gather [hbm4b:s11+s3], $0x80, v2, vm0, $0xb8;
	[tilespmem:$0x10080] =	vst v63  }
0x95: {  	_ = 	snop  }
0x96: {  	[tilespmem:s31], [sflag:$0x1] =	stream.indirect_vreg.gather [hbm4b:s12+s3], $0x80, v2, vm0, $0xb8;
	[tilespmem:$0x10080] =	vst v63  }
0x97: {  	s8 =	simm.s32 $0x4880  }
0x98: {  	[tilespmem:s8], [sflag:$0x1] =	stream.indirect_vreg.gather [hbm4b:s13+s3], $0x80, v2, vm0, $0xb8;
	[tilespmem:$0x10080] =	vst v63  }
0x99: {  	_ = 	snop  }
0x9a: {  	[tilespmem:s21], [sflag:$0x1] =	stream.indirect_vreg.gather [hbm4b:s14+s3], $0x80, v2, vm0, $0xb8;
	[tilespmem:$0x10080] =	vst v63  }
0x9b: {  	_ = 	snop  }
0x9c: {  	[tilespmem:s22], [sflag:$0x1] =	stream.indirect_vreg.gather [hbm4b:s1+s3], $0x80, v2, vm0, $0xb8;
	[tilespmem:$0x10080] =	vst v63  }
0x9d: {  	s9 =	simm.s32 $0x6080  }
0x9e: {  	[tilespmem:s9], [sflag:$0x1] =	stream.indirect_vreg.gather [hbm4b:s23+s3], $0x80, v2, vm0, $0xb8;
	[tilespmem:$0x10080] =	vst v63  }
0x9f: {  	s10 =	simm.s32 $0x6880  }
0xa0: {  	[tilespmem:s10], [sflag:$0x1] =	stream.indirect_vreg.gather [hbm4b:s16+s3], $0x80, v2, vm0, $0xb8;
	[tilespmem:$0x10080] =	vst v63  }
0xa1: {  	s11 =	simm.s32 $0x7080  }
0xa2: {  	[tilespmem:s11], [sflag:$0x1] =	stream.indirect_vreg.gather [hbm4b:s17+s3], $0x80, v2, vm0, $0xb8;
	[tilespmem:$0x10080] =	vst v63  }
0xa3: {  	s13 =	simm.s32 $0x7880  }
0xa4: {  	[tilespmem:s13], [sflag:$0x1] =	stream.indirect_vreg.gather [hbm4b:s18+s3], $0x80, v2, vm0, $0xb8;
	[tilespmem:$0x10080] =	vst v63  }
0xa5: {  	s12 =	rddreg [dreg:$0x6]  }
0xa6: {  	[hbm4b:s12+s3] =	stream.linear.scatter [tilespmem:s15], [sflag:$0x4], $0x8000, $0x38;
	[tilespmem:$0x10080] =	vst v63  }
0xa7: {  	_ =	swait.ge [sflag:s26], $0x8000  }
0xa8: {  	[sflag:s26] =	ssyncset.done $0x0  }
0xa9: {  	s14 =	rddreg [dreg:$0x7];
	[sflag:s26] =	ssyncadd.s32 $0xFFFF8000  }
0xaa: {  	[hbm4b:s14+s3] =	stream.linear.scatter [tilespmem:s4], [sflag:$0x3], $0x8000, $0x38;
	[tilespmem:$0x10080] =	vst v63  }
0xab: {  	p0 =	sne.s32 s19, $0x1;
	_ =	swait.ge [sflag:s30], $0x8000  }
.Ltmp0:
0xac: {  	[sflag:s30] =	ssyncset.done $0x0;
	(pc) =	sbr.rel @p0 .LBB2_1-.Ltmp0, $4  }
0xad: {  	s20 =	simm.s32 $0x4;
	[sflag:s30] =	ssyncadd.s32 $0xFFFF8000  }
0xae: {  	_ =	swait.ge [sflag:s20], $0x8000  }
0xaf: {  	[sflag:s20] =	ssyncset.done $0x0  }
0xb0: {  	s19 =	sadd.s32 $0xFFFFFFFF, s19;
	[sflag:s20] =	ssyncadd.s32 $0xFFFF8000  }
0xb1: {  	_ =	sfence.sel $0x180000  }
0xb2: {  	[bflag:$0x0] =	sbarrier.arrive $0xFFFF  }
0xb3: {  	_ =	strace $0x9000004A  }
0xb4: {  	s0 =	stileid.u32;
	[bflag:$0x2] =	sbarrier.arrive $0xFFFF  }
0xb5: {  	p0 =	sne.s32 s0, $0x0;
	s0 =	rddreg [dreg:$0x3]  }
0xb6: {  	s0 =	sadd.s32 @!p0 $0x100000, s0  }
0xb7: {  	[sflag:s0] =	ssyncadd.tile.s32 @!p0 $0x1;
	_ =	shalt  }
.Lfunc_end2:
_tile_overlayer_lowered:
.L_overlay_start_2:
0xb8: {  	(tag) =	ssettag $0x2  }
0xb9: {  	s0 =	rddreg [dreg:$0x0];
	s2 =	stileid.u32  }
0xba: {  	s1 =	rddreg [dreg:$0x1];
	p0 =	sne.s32 s2, $0x0  }
0xbb: {  	s3 =	rddreg [dreg:$0x2];
	[bflag:$0x3] =	sbarrier.arrive $0xFFFF;
	s2 =	simm.s32 @!p0 $0x1C05  }
0xbc: {  	[timem:s3], [sflag:s2] =	dma.local @!p0 [hbm:s0], s1  }
0xbd: {  	s0 =	simm.s32 @!p0 $0x5  }
0xbe: {  	_ =	swait.ge @!p0 [sflag:s0], s1  }
0xbf: {  	s1 =	ssub.s32 @!p0 $0x0, s1;
	[sflag:s0] =	ssyncset.done @!p0 $0x0  }
0xc0: {  	[sflag:s0] =	ssyncadd.s32 @!p0 s1  }
0xc1: {  	[bflag:$0x3] =	sbarrier.arrive $0xFFFF  }
0xc2: {  	_ =	shalt  }

// kernel: kernel.15.cloned.1.call-start
scs
__scs_entry_jumppad:
0x0: {  	(pc) =	sbr.rel $0x88, $3  }
0x1: {  	(tag) =	ssettag $0x0;
	lr =	simm.s32 $0x1  }
0x2: {  	[smem:$0x3F9B] =	sst lr;
	_ =	strace $0xD0000000  }
0x3: {  	_ = 	snop  }
0x4: {  	_ = 	snop  }
0x5: {  	_ = 	snop  }
0x6: {  	_ = 	snop  }
0x7: {  	_ = 	snop  }
__scs_overlays_trampoline_lowered:
0x8: {  	[smem:$0x3FAA] =	sst s0  }
0x9: {  	[smem:$0x3FAB] =	sst s1  }
0xa: {  	[smem:$0x3FAC] =	sst s2  }
0xb: {  	[smem:$0x3FAD] =	sst s3  }
0xc: {  	[smem:$0x3FAE] =	sst s4  }
0xd: {  	[smem:$0x3FAF] =	sst s5  }
0xe: {  	[smem:$0x3FB0] =	sst s6  }
0xf: {  	[smem:$0x3FB1] =	sst s7  }
0x10: {  	[smem:$0x3FB2] =	sst s8  }
0x11: {  	[smem:$0x3FB3] =	sst s9;
	s0 =	simm.s32 @!p0 $0x0  }
0x12: {  	s1 =	sld [smem:$0x3F99];
	s0 =	simm.s32 @p0 $0x1  }
0x13: {  	[smem:$0x3FB4] =	sst s0;
	s0 =	simm.s32 @!p1 $0x0  }
0x14: {  	s2 =	sld [smem:$0x3F98];
	s0 =	simm.s32 @p1 $0x1  }
0x15: {  	[smem:$0x3FB5] =	sst s0;
	s0 =	simm.s32 @!p2 $0x0  }
0x16: {  	s3 =	sld [smem:$0x3FDB];
	s0 =	simm.s32 @p2 $0x1  }
0x17: {  	s4 =	simm.s32 $0x1BF5;
	[smem:$0x3FB7] =	sst s0  }
0x18: {  	s0 =	sld [smem:$0x3F9A];
	_ =	swait.ge [sflag:s4], $0x0  }
0x19: {  	s7 =	sld [smem:$0x3F9B]  }
0x1a: {  	s8 =	sadd.s32 $0xFFFFE003, lr  }
0x1b: {  	s9 =	sadd.s32 $0xFFFFFEF7, lr;
	s5 =	simm.s32 $0xFFFFFFFF;
	p2 =	slt.u32 s8, $0xFFFFF086  }
0x1c: {  	p1 =	slt.u32 s9, $0xF7A;
	s5 =	simm.s32 @!p2 $0x0  }
0x1d: {  	s5 =	simm.s32 @p1 $0x1;
	p0 =	seq.s32 s7, s2  }
0x1e: {  	s7 =	smul.u32 @!p0 $0xF7A, s2;
	p2 =	seq.s32 @!p0 s5, $0x0  }
0x1f: {  	s9 =	smul.u32 $0xF7A, s1;
	s8 =	simm.s32 @!p0 $0x1BF5;
	p2 =	por !p2, p0  }
0x20: {  	[sflag:s8] =	ssyncset.s32 @!p0 $0xFFFFF086;
	s6 =	sadd.s32 @!p0 s3, s7;
	s7 =	simm.s32 @!p0 $0x108  }
0x21: {  	s3 =	sadd.s32 s3, s9;
	s6 =	sadd.s32 @!p0 $0x88, s6;
	s7 =	simm.s32 @p2 $0x1082  }
0x22: {  	[simem:s7], [sflag:s8] =	dma.local @!p0 [hbm:s6], $0xF7A  }
0x23: {  	s9 =	sor.u32 $0xD0000000, s2;
	s6 =	simm.s32 $0x108;
	_ =	swait.ge @!p0 [sflag:s8], $0x0  }
0x24: {  	s3 =	sadd.s32 $0x88, s3;
	s6 =	simm.s32 @!p1 $0x1082;
	[sflag:s4] =	ssyncset.s32 $0xFFFFF086  }
0x25: {  	[simem:s6], [sflag:s4] =	dma.local [hbm:s3], $0xF7A  }
0x26: {  	[smem:$0x3F9B] =	sst s1;
	(tag) =	ssettag s2;
	_ =	strace s9  }
0x27: {  	s1 =	sld [smem:$0x3FAB]  }
0x28: {  	s2 =	sld [smem:$0x3FAC]  }
0x29: {  	s4 =	sld [smem:$0x3FAE]  }
0x2a: {  	p0 =	seq.s32 s5, $0x0;
	s5 =	sld [smem:$0x3FAF]  }
0x2b: {  	s6 =	sld [smem:$0x3FB0]  }
0x2c: {  	s7 =	sld [smem:$0x3FB1]  }
0x2d: {  	s3 =	simm.s32 $0x108;
	s8 =	sld [smem:$0x3FB2]  }
0x2e: {  	s3 =	simm.s32 @!p0 $0x1082;
	s9 =	sld [smem:$0x3FB3]  }
0x2f: {  	lr =	sadd.s32 s0, s3;
	s0 =	sld [smem:$0x3FAA]  }
0x30: {  	s3 =	sld [smem:$0x3FAD]  }
0x31: {  	[smem:$0x3FB6] =	sst s10  }
0x32: {  	s10 =	sld [smem:$0x3FB4];
	_ =	sdelay $0x3  }
0x33: {  	p0 =	seq.s32 s10, $0x1;
	s10 =	sld [smem:$0x3FB6];
	_ =	sdelay $0x3  }
0x34: {  	[smem:$0x3FB6] =	sst s10  }
0x35: {  	s10 =	sld [smem:$0x3FB5];
	_ =	sdelay $0x3  }
0x36: {  	p1 =	seq.s32 s10, $0x1;
	s10 =	sld [smem:$0x3FB6];
	_ =	sdelay $0x3  }
0x37: {  	[smem:$0x3FB6] =	sst s10  }
0x38: {  	s10 =	sld [smem:$0x3FB7]  }
0x39: {  	_ = 	snop;
	(pc) =	sbr.ind lr, $3  }
0x3a: {  	_ = 	snop  }
0x3b: {  	_ = 	snop  }
0x3c: {  	p2 =	seq.s32 s10, $0x1;
	s10 =	sld [smem:$0x3FB6]  }
0x3d: {  	_ =	shalt  }
0x3e: {  	_ =	shalt  }
0x3f: {  	_ =	shalt  }
0x40: {  	_ =	shalt  }
0x41: {  	_ =	shalt  }
0x42: {  	_ =	shalt  }
0x43: {  	_ =	shalt  }
0x44: {  	_ =	shalt  }
0x45: {  	_ =	shalt  }
0x46: {  	_ =	shalt  }
0x47: {  	_ =	shalt  }
0x48: {  	_ =	shalt  }
0x49: {  	_ =	shalt  }
0x4a: {  	_ =	shalt  }
0x4b: {  	_ =	shalt  }
0x4c: {  	_ =	shalt  }
0x4d: {  	_ =	shalt  }
0x4e: {  	_ =	shalt  }
0x4f: {  	_ =	shalt  }
0x50: {  	_ =	shalt  }
0x51: {  	_ =	shalt  }
0x52: {  	_ =	shalt  }
0x53: {  	_ =	shalt  }
0x54: {  	_ =	shalt  }
0x55: {  	_ =	shalt  }
0x56: {  	_ =	shalt  }
0x57: {  	_ =	shalt  }
0x58: {  	_ =	shalt  }
0x59: {  	_ =	shalt  }
0x5a: {  	_ =	shalt  }
0x5b: {  	_ =	shalt  }
0x5c: {  	_ =	shalt  }
0x5d: {  	_ =	shalt  }
0x5e: {  	_ =	shalt  }
0x5f: {  	_ =	shalt  }
0x60: {  	_ =	shalt  }
0x61: {  	_ =	shalt  }
0x62: {  	_ =	shalt  }
0x63: {  	_ =	shalt  }
0x64: {  	_ =	shalt  }
0x65: {  	_ =	shalt  }
0x66: {  	_ =	shalt  }
0x67: {  	_ =	shalt  }
0x68: {  	_ =	shalt  }
0x69: {  	_ =	shalt  }
0x6a: {  	_ =	shalt  }
0x6b: {  	_ =	shalt  }
0x6c: {  	_ =	shalt  }
0x6d: {  	_ =	shalt  }
0x6e: {  	_ =	shalt  }
0x6f: {  	_ =	shalt  }
0x70: {  	_ =	shalt  }
0x71: {  	_ =	shalt  }
0x72: {  	_ =	shalt  }
0x73: {  	_ =	shalt  }
0x74: {  	_ =	shalt  }
0x75: {  	_ =	shalt  }
0x76: {  	_ =	shalt  }
0x77: {  	_ =	shalt  }
0x78: {  	_ =	shalt  }
0x79: {  	_ =	shalt  }
0x7a: {  	_ =	shalt  }
0x7b: {  	_ =	shalt  }
0x7c: {  	_ =	shalt  }
0x7d: {  	_ =	shalt  }
0x7e: {  	_ =	shalt  }
0x7f: {  	_ =	shalt  }
0x80: {  	_ =	shalt  }
0x81: {  	_ =	shalt  }
0x82: {  	_ =	shalt  }
0x83: {  	_ =	shalt  }
0x84: {  	_ =	shalt  }
0x85: {  	_ =	shalt  }
0x86: {  	_ =	shalt  }
0x87: {  	_ =	shalt  }
.Lfunc_end0:
.L_simem_size_0:
called_computation.2_lowered:
.L_overlay_start_0:
0x88: {  	s2 =	sld [smem:$0x3FD9]  }
0x89: {  	s3 =	sld [smem:$0x3FFE];
	_ =	sdelay $0x1  }
0x8a: {  	s1 =	srdreg.scid  }
0x8b: {  	s0 =	sand.u32 $0x1, s1  }
0x8c: {  	s17 =	sshll.u32 s0, $0xA;
	s2 =	sadd.s32 s3, s2  }
0x8d: {  	s2 =	sadd.s32 s2, s17  }
0x8e: {  	[smem:$0x3FC2] =	sst s2  }
0x8f: {  	_ = 	snop  }
0x90: {  	s18 =	sld [smem:$0x3FC9]  }
0x91: {  	s4 =	sld [smem:$0x3FC7];
	(tm) =	ssettm $0x1  }
0x92: {  	s19 =	sld [smem:$0x3FFB];
	_ =	sdelay $0x3  }
0x93: {  	_ =	strace s19  }
0x94: {  	s2 =	sld [smem:$0x3FFC];
	_ =	sdelay $0x3  }
0x95: {  	_ =	strace s2  }
0x96: {  	s2 =	sld [smem:$0x3FFD];
	_ =	sdelay $0x3  }
0x97: {  	_ =	strace s2  }
0x98: {  	_ =	strace $0x8FFFFFFF  }
0x99: {  	s20 =	sld [smem:$0x3FDB];
	_ =	sdelay $0x1  }
0x9a: {  	s5 =	simm.s32 $_scs_section_size  }
0x9b: {  	s6 =	simm.s32 $_size__tile_overlayer_lowered;
	s7 =	simm.s32 $_tile_overlayer_lowered  }
0x9c: {  	s8 =	simm.s32 $0x1BFF;
	s21 =	sshll.u32 s7, $0x1;
	s5 =	sadd.s32 s5, s20  }
0x9d: {  	s22 =	simm.s32 $0x0;
	s6 =	sshll.u32 s6, $0x1;
	s7 =	sadd.s32 s21, s5  }
0x9e: {  	[timem:s22], [sflag:s8] =	dma.local [hbm:s7], s6  }
0x9f: {  	_ =	swait.ge [sflag:s8], s6  }
0xa0: {  	s6 =	ssub.s32 $0x0, s6;
	[sflag:s8] =	ssyncset.done $0x0  }
0xa1: {  	[sflag:s8] =	ssyncadd.s32 s6;
	_ =	sdelay $0x1  }
0xa2: {  	s23 =	simm.s32 $0x1B8B  }
0xa3: {  	_ =	swait.ge [sflag:s23], $0x1  }
0xa4: {  	[sflag:s23] =	ssyncset.done $0x0  }
0xa5: {  	[sflag:s23] =	ssyncadd.s32 $0xFFFFFFFF  }
0xa6: {  	s6 =	sld [smem:$0x0]  }
0xa7: {  	s7 =	sand.u32 $0xFFFFFFFE, s1  }
0xa8: {  	p0 =	sne.s32 s1, s7  }
0xa9: {  	s7 =	sshll.u32 @p0 s7, $0xE  }
0xaa: {  	s7 =	sadd.s32 @p0 $0x11B8D, s7;
	s8 =	sshll.u32 @p0 s6, $0x11  }
0xab: {  	s7 =	sor.u32 @p0 s8, s7  }
0xac: {  	[sflag:s7] =	ssyncadd.remote.s32 @p0 $0x1;
	_ =	sdelay $0x1  }
0xad: {  	s7 =	simm.s32 @p0 $0x1B8D  }
0xae: {  	_ =	swait.eq @p0 [sflag:s7], $0x1  }
0xaf: {  	[sflag:s7] =	ssyncadd.s32 @p0 $0xFFFFFFFF  }
0xb0: {  	s8 =	sshll.u32 @!p0 s1, $0xE  }
0xb1: {  	s8 =	sor.u32 @!p0 $0x4000, s8;
	s7 =	simm.s32 @!p0 $0x1B8D  }
0xb2: {  	s6 =	sshll.u32 @!p0 s6, $0x11;
	s8 =	sadd.s32 @!p0 $0x11B8D, s8;
	_ =	swait.eq @!p0 [sflag:s7], $0x1  }
0xb3: {  	s6 =	sor.u32 @!p0 s6, s8;
	[sflag:s7] =	ssyncadd.s32 @!p0 $0xFFFFFFFF  }
0xb4: {  	s25 =	simm.s32 $0x1B8E;
	s24 =	sld [smem:$0x3FFE];
	[sflag:s6] =	ssyncadd.remote.s32 @!p0 $0x1  }
0xb5: {  	s26 =	simm.s32 $execute0_lowered;
	[smem:$0x3FD2] =	sst s25  }
0xb6: {  	s7 =	sshll.u32 s26, $0x1;
	_ =	strace $0x8000004C;
	[dreg:$0x1] =	wrdreg $0xFFFFFFFF  }
0xb7: {  	s28 =	simm.s32 $_size_execute0_lowered;
	s5 =	sadd.s32 s5, s7;
	[dreg:$0x0] =	wrdreg $0x0  }
0xb8: {  	s7 =	sshll.u32 s28, $0x1;
	[dreg:$0x2] =	wrdreg s5  }
0xb9: {  	[dreg:$0x3] =	wrdreg s7  }
0xba: {  	[dreg:$0x4] =	wrdreg $0xC0  }
0xbb: {  	_ =	task [dreg:s22], $0x5FFFF  }
0xbc: {  	[dreg:$0x1] =	wrdreg $0xFFFFFFFF  }
0xbd: {  	[dreg:$0x0] =	wrdreg $0x60  }
0xbe: {  	[dreg:$0x2] =	wrdreg s18  }
0xbf: {  	[dreg:$0x3] =	wrdreg s4  }
0xc0: {  	[dreg:$0x4] =	wrdreg s24  }
0xc1: {  	[dreg:$0x5] =	wrdreg $0xB  }
0xc2: {  	_ =	task.clear_ibuf [dreg:s22], $0x6FFFF;
	_ =	strace $0x9000004C  }
0xc3: {  	s29 =	simm.s32 $0xB;
	_ =	strace $0x8000004E  }
0xc4: {  	_ =	swait.ge [sflag:s29], $0x1  }
0xc5: {  	[sflag:s29] =	ssyncadd.s32 $0xFFFFFFFF  }
0xc6: {  	_ =	strace $0x9000004E  }
0xc7: {  	_ =	sfence  }
0xc8: {  	s30 =	sld [smem:$0x0];
	_ =	sdelay $0x2  }
0xc9: {  	s31 =	sshll.u32 s1, $0xD;
	s1 =	sshrl.u32 s1, $0x2  }
0xca: {  	s4 =	sand.u32 $0x4000, s31;
	s1 =	sadd.s32 s1, s30  }
0xcb: {  	s0 =	sor.u32 s4, s0;
	s1 =	sshll.u32 s1, $0x11  }
0xcc: {  	s0 =	sor.u32 s1, s0  }
0xcd: {  	s0 =	sadd.s32 $0x8F2B, s0  }
0xce: {  	[sflag:s0] =	ssyncadd.remote.s32 $0x1  }
0xcf: {  	_ =	sfence.sel $0xFFFF  }
0xd0: {  	[dreg:$0x0] =	wrdreg $0xFFFFFFFF;
	(pc) =	sbr.abs _section_cstart, $3  }
0xd1: {  	[dreg:$0x1] =	wrdreg $0xFFFFFFFF  }
0xd2: {  	_ =	task.clear_ibuf [dreg:s22], $0x2FFFF;
	_ =	strace $0x9FFFFFFF  }
0xd3: {  	(tm) =	ssettm $0x7FFFFFFF  }
tec
execute0_lowered:
.L_overlay_start_1:
0x0: {  	(tag) =	ssettag $0x1  }
0x1: {  	s1 =	rddreg [dreg:$0x0]  }
0x2: {  	s2 =	srdreg.scid;
	s4 =	rddreg [dreg:$0x1]  }
0x3: {  	s0 =	stileid.u32;
	s6 =	rddreg [dreg:$0x2];
	s14 =	simm.s32 $0x880  }
0x4: {  	s15 =	simm.s32 $0x1080;
	s16 =	simm.s32 $0x1880;
	s2 =	sand.u32 $0x1, s2  }
0x5: {  	s18 =	simm.s32 $0x2080;
	s3 =	sshll.u32 s0, $0x5;
	s5 =	sshll.u32 s2, $0x4  }
0x6: {  	s19 =	simm.s32 $0x2880;
	s5 =	sor.u32 s5, s3;
	s3 =	simm.s32 $0x0  }
0x7: {  	s20 =	simm.s32 $0x3080;
	s21 =	simm.s32 $0x3880;
	[smem:$0x7FF] =	sst s3  }
0x8: {  	s8 =	simm.s32 $0x4080;
	_ =	strace $0x8000004D;
	[dreg:$0x7] =	wrdreg s14  }
0x9: {  	s9 =	simm.s32 $0x4880;
	s10 =	simm.s32 $0x5080;
	[dreg:$0x8] =	wrdreg s15  }
0xa: {  	s11 =	simm.s32 $0x5880;
	s22 =	simm.s32 $0xB080;
	[dreg:$0x9] =	wrdreg s16  }
0xb: {  	s23 =	simm.s32 $0xB880;
	s24 =	simm.s32 $0xC080;
	[dreg:$0xa] =	wrdreg s18  }
0xc: {  	s25 =	simm.s32 $0xC880;
	s26 =	simm.s32 $0xD080;
	[dreg:$0xb] =	wrdreg s19  }
0xd: {  	s28 =	simm.s32 $0xF080;
	s29 =	simm.s32 $0xF880;
	[dreg:$0xc] =	wrdreg s20  }
0xe: {  	s30 =	simm.s32 $0x2;
	s2 =	ssub.s32 $0x2, s2;
	[dreg:$0xd] =	wrdreg s21  }
0xf: {  	s31 =	simm.s32 $0x3;
	s17 =	sshrl.u32 s2, $0x1;
	[dreg:$0xe] =	wrdreg s8  }
0x10: {  	s7 =	sshrl.u32 s5, $0x3;
	s5 =	sshll.u32 s5, $0x9;
	[dreg:$0xf] =	wrdreg s9  }
0x11: {  	s2 =	ssub.s32 s2, s17;
	s17 =	simm.s32 $0x9080;
	[dreg:$0x10] =	wrdreg s10  }
0x12: {  	s4 =	sadd.s32 s7, s4;
	s5 =	sadd.s32 s5, s6;
	[dreg:$0x11] =	wrdreg s11  }
0x13: {  	s6 =	sadd.s32 $0x300, s1;
	s7 =	sadd.s32 $0x400, s1;
	[dreg:$0x17] =	wrdreg s17  }
0x14: {  	s8 =	sadd.s32 $0x500, s1;
	s9 =	sadd.s32 $0x600, s1;
	[dreg:$0x1b] =	wrdreg s22  }
0x15: {  	s10 =	sadd.s32 $0x700, s1;
	s11 =	sadd.s32 $0x800, s1;
	[dreg:$0x1c] =	wrdreg s23  }
0x16: {  	s14 =	simm.s32 $0x7080;
	s15 =	simm.s32 $0x7880;
	[dreg:$0x1d] =	wrdreg s24  }
0x17: {  	s16 =	simm.s32 $0x8880;
	s18 =	simm.s32 $0x9880;
	[dreg:$0x1e] =	wrdreg s25  }
0x18: {  	s17 =	sadd.s32 $0xE00, s1;
	s19 =	simm.s32 $0xA080;
	[dreg:$0x1f] =	wrdreg s26  }
0x19: {  	s20 =	simm.s32 $0xA880;
	s21 =	simm.s32 $0x80;
	[dreg:$0x14] =	wrdreg s14  }
0x1a: {  	s22 =	simm.s32 $0x1;
	s23 =	simm.s32 $0x8080;
	[dreg:$0x15] =	wrdreg s15  }
0x1b: {  	s25 =	simm.s32 $0xE080;
	s26 =	simm.s32 $0xE880;
	[dreg:$0x16] =	wrdreg s16  }
0x1c: {  	s4 =	sadd.s32 $0xC0, s4;
	s12 =	sadd.s32 $0xC1A00, s5;
	[dreg:$0x18] =	wrdreg s18  }
0x1d: {  	s13 =	sadd.s32 $0xC2A00, s5;
	s5 =	sadd.s32 $0x200, s1;
	[dreg:$0x19] =	wrdreg s19  }
0x1e: {  	s14 =	sadd.s32 $0xB00, s1;
	s15 =	sadd.s32 $0xC00, s1;
	[dreg:$0x1a] =	wrdreg s20  }
0x1f: {  	s16 =	sadd.s32 $0xD00, s1;
	s18 =	sadd.s32 $0xF00, s1;
	[dreg:$0x4] =	wrdreg s4  }
0x20: {  	s19 =	smax.u32 s2, $0x1;
	s20 =	simm.s32 $0x5;
	[dreg:$0x5] =	wrdreg s12  }
0x21: {  	v0 =	vlaneseq.u32;
	s2 =	simm.s32 $0x4;
	[dreg:$0x6] =	wrdreg s13;
	s12 =	simm.s32 $0x6080  }
0x22: {  	v1 =	vshrl.u32 v0, $0x3;
	s4 =	sadd.s32 $0x100, s1;
	s13 =	simm.s32 $0x6880;
	[dreg:$0x12] =	wrdreg s12  }
0x23: {  	vm0 =	vmmov $0xffff;
	v0 =	vand.u32 $0x7, v0;
	v1 =	vmul.u32 $0x8, v1;
	s12 =	sadd.s32 $0x900, s1;
	[dreg:$0x13] =	wrdreg s13;
	s13 =	sadd.s32 $0xA00, s1  }
.LBB2_1:
0x24: {  	s0 =	rddreg [dreg:$0x4]  }
0x25: {  	[tilespmem:s3], [sflag:$0x5] =	stream.linear.gather [hbm4b:s0+s3], $0x10, $0x38;
	[tilespmem:$0x10080] =	vst v63  }
0x26: {  	_ =	swait.ge [sflag:s20], $0x10  }
0x27: {  	[sflag:s20] =	ssyncset.done $0x0  }
0x28: {  	[sflag:s20] =	ssyncadd.s32 $0xFFFFFFF0  }
0x29: {  	v2 =	vld.msk [tilespmem:$0x0], $0xff;
	_ =	sdelay $0x4  }
0x2a: {  	v3 =	vshll.u32 v2, $0x5  }
0x2b: {  	v2 =	vand.u32 $0x7, v2;
	v3 =	vand.u32 $0xFFFFFF00, v3  }
0x2c: {  	v2 =	vor.u32 v2, v3  }
0x2d: {  	v2 =	vperm.xlane v2, v0;
	_ =	sdelay $0x1  }
0x2e: {  	v2 =	vadd.s32 v1, v2;
	_ =	sdelay $0x4  }
0x2f: {  	[tilespmem:s21], [sflag:$0x1] =	stream.indirect_vreg.gather [hbm4b:s1+s3], $0x80, v2, vm0, $0xb8;
	[tilespmem:$0x10080] =	vst v63  }
0x30: {  	s0 =	rddreg [dreg:$0x7]  }
0x31: {  	[tilespmem:s0], [sflag:$0x1] =	stream.indirect_vreg.gather [hbm4b:s4+s3], $0x80, v2, vm0, $0xb8;
	[tilespmem:$0x10080] =	vst v63  }
0x32: {  	s24 =	rddreg [dreg:$0x8]  }
0x33: {  	[tilespmem:s24], [sflag:$0x1] =	stream.indirect_vreg.gather [hbm4b:s5+s3], $0x80, v2, vm0, $0xb8;
	[tilespmem:$0x10080] =	vst v63  }
0x34: {  	s0 =	rddreg [dreg:$0x9]  }
0x35: {  	[tilespmem:s0], [sflag:$0x1] =	stream.indirect_vreg.gather [hbm4b:s6+s3], $0x80, v2, vm0, $0xb8;
	[tilespmem:$0x10080] =	vst v63  }
0x36: {  	s24 =	rddreg [dreg:$0xa]  }
0x37: {  	[tilespmem:s24], [sflag:$0x1] =	stream.indirect_vreg.gather [hbm4b:s7+s3], $0x80, v2, vm0, $0xb8;
	[tilespmem:$0x10080] =	vst v63  }
0x38: {  	s0 =	rddreg [dreg:$0xb]  }
0x39: {  	[tilespmem:s0], [sflag:$0x1] =	stream.indirect_vreg.gather [hbm4b:s8+s3], $0x80, v2, vm0, $0xb8;
	[tilespmem:$0x10080] =	vst v63  }
0x3a: {  	s24 =	rddreg [dreg:$0xc]  }
0x3b: {  	[tilespmem:s24], [sflag:$0x1] =	stream.indirect_vreg.gather [hbm4b:s9+s3], $0x80, v2, vm0, $0xb8;
	[tilespmem:$0x10080] =	vst v63  }
0x3c: {  	s0 =	rddreg [dreg:$0xd]  }
0x3d: {  	[tilespmem:s0], [sflag:$0x1] =	stream.indirect_vreg.gather [hbm4b:s10+s3], $0x80, v2, vm0, $0xb8;
	[tilespmem:$0x10080] =	vst v63  }
0x3e: {  	s24 =	rddreg [dreg:$0xe]  }
0x3f: {  	[tilespmem:s24], [sflag:$0x1] =	stream.indirect_vreg.gather [hbm4b:s11+s3], $0x80, v2, vm0, $0xb8;
	[tilespmem:$0x10080] =	vst v63  }
0x40: {  	s0 =	rddreg [dreg:$0xf]  }
0x41: {  	[tilespmem:s0], [sflag:$0x1] =	stream.indirect_vreg.gather [hbm4b:s12+s3], $0x80, v2, vm0, $0xb8;
	[tilespmem:$0x10080] =	vst v63  }
0x42: {  	s24 =	rddreg [dreg:$0x10]  }
0x43: {  	[tilespmem:s24], [sflag:$0x1] =	stream.indirect_vreg.gather [hbm4b:s13+s3], $0x80, v2, vm0, $0xb8;
	[tilespmem:$0x10080] =	vst v63  }
0x44: {  	s0 =	rddreg [dreg:$0x11]  }
0x45: {  	[tilespmem:s0], [sflag:$0x1] =	stream.indirect_vreg.gather [hbm4b:s14+s3], $0x80, v2, vm0, $0xb8;
	[tilespmem:$0x10080] =	vst v63  }
0x46: {  	s24 =	rddreg [dreg:$0x12]  }
0x47: {  	[tilespmem:s24], [sflag:$0x1] =	stream.indirect_vreg.gather [hbm4b:s15+s3], $0x80, v2, vm0, $0xb8;
	[tilespmem:$0x10080] =	vst v63  }
0x48: {  	s0 =	rddreg [dreg:$0x13]  }
0x49: {  	[tilespmem:s0], [sflag:$0x1] =	stream.indirect_vreg.gather [hbm4b:s16+s3], $0x80, v2, vm0, $0xb8;
	[tilespmem:$0x10080] =	vst v63  }
0x4a: {  	s24 =	rddreg [dreg:$0x14]  }
0x4b: {  	[tilespmem:s24], [sflag:$0x1] =	stream.indirect_vreg.gather [hbm4b:s17+s3], $0x80, v2, vm0, $0xb8;
	[tilespmem:$0x10080] =	vst v63  }
0x4c: {  	s0 =	rddreg [dreg:$0x15]  }
0x4d: {  	[tilespmem:s0], [sflag:$0x1] =	stream.indirect_vreg.gather [hbm4b:s18+s3], $0x80, v2, vm0, $0xb8;
	[tilespmem:$0x10080] =	vst v63  }
0x4e: {  	_ =	swait.ge [sflag:s22], $0x8000  }
0x4f: {  	[sflag:s22] =	ssyncset.done $0x0  }
0x50: {  	[sflag:s22] =	ssyncadd.s32 $0xFFFF8000  }
0x51: {  	v2 =	vld.msk [tilespmem:$0x8], $0xff;
	_ =	sdelay $0x4  }
0x52: {  	v3 =	vshll.u32 v2, $0x5  }
0x53: {  	v2 =	vand.u32 $0x7, v2;
	v3 =	vand.u32 $0xFFFFFF00, v3  }
0x54: {  	v2 =	vor.u32 v2, v3  }
0x55: {  	v2 =	vperm.xlane v2, v0;
	_ =	sdelay $0x1  }
0x56: {  	v2 =	vadd.s32 v1, v2;
	_ =	sdelay $0x4  }
0x57: {  	[tilespmem:s23], [sflag:$0x2] =	stream.indirect_vreg.gather [hbm4b:s1+s3], $0x80, v2, vm0, $0xb8;
	[tilespmem:$0x10080] =	vst v63  }
0x58: {  	s0 =	rddreg [dreg:$0x16]  }
0x59: {  	[tilespmem:s0], [sflag:$0x2] =	stream.indirect_vreg.gather [hbm4b:s4+s3], $0x80, v2, vm0, $0xb8;
	[tilespmem:$0x10080] =	vst v63  }
0x5a: {  	s24 =	rddreg [dreg:$0x17]  }
0x5b: {  	[tilespmem:s24], [sflag:$0x2] =	stream.indirect_vreg.gather [hbm4b:s5+s3], $0x80, v2, vm0, $0xb8;
	[tilespmem:$0x10080] =	vst v63  }
0x5c: {  	s0 =	rddreg [dreg:$0x18]  }
0x5d: {  	[tilespmem:s0], [sflag:$0x2] =	stream.indirect_vreg.gather [hbm4b:s6+s3], $0x80, v2, vm0, $0xb8;
	[tilespmem:$0x10080] =	vst v63  }
0x5e: {  	s24 =	rddreg [dreg:$0x19]  }
0x5f: {  	[tilespmem:s24], [sflag:$0x2] =	stream.indirect_vreg.gather [hbm4b:s7+s3], $0x80, v2, vm0, $0xb8;
	[tilespmem:$0x10080] =	vst v63  }
0x60: {  	s0 =	rddreg [dreg:$0x1a]  }
0x61: {  	[tilespmem:s0], [sflag:$0x2] =	stream.indirect_vreg.gather [hbm4b:s8+s3], $0x80, v2, vm0, $0xb8;
	[tilespmem:$0x10080] =	vst v63  }
0x62: {  	s24 =	rddreg [dreg:$0x1b]  }
0x63: {  	[tilespmem:s24], [sflag:$0x2] =	stream.indirect_vreg.gather [hbm4b:s9+s3], $0x80, v2, vm0, $0xb8;
	[tilespmem:$0x10080] =	vst v63  }
0x64: {  	s0 =	rddreg [dreg:$0x1c]  }
0x65: {  	[tilespmem:s0], [sflag:$0x2] =	stream.indirect_vreg.gather [hbm4b:s10+s3], $0x80, v2, vm0, $0xb8;
	[tilespmem:$0x10080] =	vst v63  }
0x66: {  	s24 =	rddreg [dreg:$0x1d]  }
0x67: {  	[tilespmem:s24], [sflag:$0x2] =	stream.indirect_vreg.gather [hbm4b:s11+s3], $0x80, v2, vm0, $0xb8;
	[tilespmem:$0x10080] =	vst v63  }
0x68: {  	s0 =	rddreg [dreg:$0x1e]  }
0x69: {  	[tilespmem:s0], [sflag:$0x2] =	stream.indirect_vreg.gather [hbm4b:s12+s3], $0x80, v2, vm0, $0xb8;
	[tilespmem:$0x10080] =	vst v63  }
0x6a: {  	s24 =	rddreg [dreg:$0x1f]  }
0x6b: {  	[tilespmem:s24], [sflag:$0x2] =	stream.indirect_vreg.gather [hbm4b:s13+s3], $0x80, v2, vm0, $0xb8;
	[tilespmem:$0x10080] =	vst v63  }
0x6c: {  	s24 =	simm.s32 $0xD880  }
0x6d: {  	[tilespmem:s24], [sflag:$0x2] =	stream.indirect_vreg.gather [hbm4b:s14+s3], $0x80, v2, vm0, $0xb8;
	[tilespmem:$0x10080] =	vst v63  }
0x6e: {  	_ = 	snop  }
0x6f: {  	[tilespmem:s25], [sflag:$0x2] =	stream.indirect_vreg.gather [hbm4b:s15+s3], $0x80, v2, vm0, $0xb8;
	[tilespmem:$0x10080] =	vst v63  }
0x70: {  	_ = 	snop  }
0x71: {  	[tilespmem:s26], [sflag:$0x2] =	stream.indirect_vreg.gather [hbm4b:s16+s3], $0x80, v2, vm0, $0xb8;
	[tilespmem:$0x10080] =	vst v63  }
0x72: {  	_ = 	snop  }
0x73: {  	[tilespmem:s28], [sflag:$0x2] =	stream.indirect_vreg.gather [hbm4b:s17+s3], $0x80, v2, vm0, $0xb8;
	[tilespmem:$0x10080] =	vst v63  }
0x74: {  	_ = 	snop  }
0x75: {  	[tilespmem:s29], [sflag:$0x2] =	stream.indirect_vreg.gather [hbm4b:s18+s3], $0x80, v2, vm0, $0xb8;
	[tilespmem:$0x10080] =	vst v63  }
0x76: {  	s24 =	rddreg [dreg:$0x5]  }
0x77: {  	[hbm4b:s24+s3] =	stream.linear.scatter [tilespmem:s21], [sflag:$0x3], $0x8000, $0x38;
	[tilespmem:$0x10080] =	vst v63  }
0x78: {  	_ =	swait.ge [sflag:s30], $0x8000  }
0x79: {  	[sflag:s30] =	ssyncset.done $0x0  }
0x7a: {  	s24 =	rddreg [dreg:$0x6];
	[sflag:s30] =	ssyncadd.s32 $0xFFFF8000  }
0x7b: {  	[hbm4b:s24+s3] =	stream.linear.scatter [tilespmem:s23], [sflag:$0x4], $0x8000, $0x38;
	[tilespmem:$0x10080] =	vst v63  }
0x7c: {  	p0 =	sne.s32 s19, $0x1;
	_ =	swait.ge [sflag:s31], $0x8000  }
.Ltmp0:
0x7d: {  	[sflag:s31] =	ssyncset.done $0x0;
	(pc) =	sbr.rel @p0 .LBB2_1-.Ltmp0, $4  }
0x7e: {  	[sflag:s31] =	ssyncadd.s32 $0xFFFF8000  }
0x7f: {  	_ =	swait.ge [sflag:s2], $0x8000  }
0x80: {  	[sflag:s2] =	ssyncset.done $0x0  }
0x81: {  	s19 =	sadd.s32 $0xFFFFFFFF, s19;
	[sflag:s2] =	ssyncadd.s32 $0xFFFF8000  }
0x82: {  	_ =	sfence.sel $0x180000  }
0x83: {  	[bflag:$0x0] =	sbarrier.arrive $0xFFFF  }
0x84: {  	_ =	strace $0x9000004D  }
0x85: {  	s0 =	stileid.u32;
	[bflag:$0x2] =	sbarrier.arrive $0xFFFF  }
0x86: {  	p0 =	sne.s32 s0, $0x0;
	s0 =	rddreg [dreg:$0x3]  }
0x87: {  	s0 =	sadd.s32 @!p0 $0x100000, s0  }
0x88: {  	[sflag:s0] =	ssyncadd.tile.s32 @!p0 $0x1;
	_ =	shalt  }
.Lfunc_end2:
_tile_overlayer_lowered:
.L_overlay_start_2:
0x89: {  	(tag) =	ssettag $0x2  }
0x8a: {  	s0 =	rddreg [dreg:$0x0];
	s2 =	stileid.u32  }
0x8b: {  	s1 =	rddreg [dreg:$0x1];
	p0 =	sne.s32 s2, $0x0  }
0x8c: {  	s3 =	rddreg [dreg:$0x2];
	[bflag:$0x3] =	sbarrier.arrive $0xFFFF;
	s2 =	simm.s32 @!p0 $0x1C05  }
0x8d: {  	[timem:s3], [sflag:s2] =	dma.local @!p0 [hbm:s0], s1  }
0x8e: {  	s0 =	simm.s32 @!p0 $0x5  }
0x8f: {  	_ =	swait.ge @!p0 [sflag:s0], s1  }
0x90: {  	s1 =	ssub.s32 @!p0 $0x0, s1;
	[sflag:s0] =	ssyncset.done @!p0 $0x0  }
0x91: {  	[sflag:s0] =	ssyncadd.s32 @!p0 s1  }
0x92: {  	[bflag:$0x3] =	sbarrier.arrive $0xFFFF  }
0x93: {  	_ =	shalt  }

// kernel: kernel.9.cloned.1.call-start
scs
__scs_entry_jumppad:
0x0: {  	(pc) =	sbr.rel $0x88, $3  }
0x1: {  	(tag) =	ssettag $0x0;
	lr =	simm.s32 $0x1  }
0x2: {  	[smem:$0x3F9B] =	sst lr;
	_ =	strace $0xD0000000  }
0x3: {  	_ = 	snop  }
0x4: {  	_ = 	snop  }
0x5: {  	_ = 	snop  }
0x6: {  	_ = 	snop  }
0x7: {  	_ = 	snop  }
__scs_overlays_trampoline_lowered:
0x8: {  	[smem:$0x3FAA] =	sst s0  }
0x9: {  	[smem:$0x3FAB] =	sst s1  }
0xa: {  	[smem:$0x3FAC] =	sst s2  }
0xb: {  	[smem:$0x3FAD] =	sst s3  }
0xc: {  	[smem:$0x3FAE] =	sst s4  }
0xd: {  	[smem:$0x3FAF] =	sst s5  }
0xe: {  	[smem:$0x3FB0] =	sst s6  }
0xf: {  	[smem:$0x3FB1] =	sst s7  }
0x10: {  	[smem:$0x3FB2] =	sst s8  }
0x11: {  	[smem:$0x3FB3] =	sst s9;
	s0 =	simm.s32 @!p0 $0x0  }
0x12: {  	s1 =	sld [smem:$0x3F99];
	s0 =	simm.s32 @p0 $0x1  }
0x13: {  	[smem:$0x3FB4] =	sst s0;
	s0 =	simm.s32 @!p1 $0x0  }
0x14: {  	s2 =	sld [smem:$0x3F98];
	s0 =	simm.s32 @p1 $0x1  }
0x15: {  	[smem:$0x3FB5] =	sst s0;
	s0 =	simm.s32 @!p2 $0x0  }
0x16: {  	s3 =	sld [smem:$0x3FDB];
	s0 =	simm.s32 @p2 $0x1  }
0x17: {  	s4 =	simm.s32 $0x1BF5;
	[smem:$0x3FB7] =	sst s0  }
0x18: {  	s0 =	sld [smem:$0x3F9A];
	_ =	swait.ge [sflag:s4], $0x0  }
0x19: {  	s7 =	sld [smem:$0x3F9B]  }
0x1a: {  	s8 =	sadd.s32 $0xFFFFE003, lr  }
0x1b: {  	s9 =	sadd.s32 $0xFFFFFEF7, lr;
	s5 =	simm.s32 $0xFFFFFFFF;
	p2 =	slt.u32 s8, $0xFFFFF086  }
0x1c: {  	p1 =	slt.u32 s9, $0xF7A;
	s5 =	simm.s32 @!p2 $0x0  }
0x1d: {  	s5 =	simm.s32 @p1 $0x1;
	p0 =	seq.s32 s7, s2  }
0x1e: {  	s7 =	smul.u32 @!p0 $0xF7A, s2;
	p2 =	seq.s32 @!p0 s5, $0x0  }
0x1f: {  	s9 =	smul.u32 $0xF7A, s1;
	s8 =	simm.s32 @!p0 $0x1BF5;
	p2 =	por !p2, p0  }
0x20: {  	[sflag:s8] =	ssyncset.s32 @!p0 $0xFFFFF086;
	s6 =	sadd.s32 @!p0 s3, s7;
	s7 =	simm.s32 @!p0 $0x108  }
0x21: {  	s3 =	sadd.s32 s3, s9;
	s6 =	sadd.s32 @!p0 $0x88, s6;
	s7 =	simm.s32 @p2 $0x1082  }
0x22: {  	[simem:s7], [sflag:s8] =	dma.local @!p0 [hbm:s6], $0xF7A  }
0x23: {  	s9 =	sor.u32 $0xD0000000, s2;
	s6 =	simm.s32 $0x108;
	_ =	swait.ge @!p0 [sflag:s8], $0x0  }
0x24: {  	s3 =	sadd.s32 $0x88, s3;
	s6 =	simm.s32 @!p1 $0x1082;
	[sflag:s4] =	ssyncset.s32 $0xFFFFF086  }
0x25: {  	[simem:s6], [sflag:s4] =	dma.local [hbm:s3], $0xF7A  }
0x26: {  	[smem:$0x3F9B] =	sst s1;
	(tag) =	ssettag s2;
	_ =	strace s9  }
0x27: {  	s1 =	sld [smem:$0x3FAB]  }
0x28: {  	s2 =	sld [smem:$0x3FAC]  }
0x29: {  	s4 =	sld [smem:$0x3FAE]  }
0x2a: {  	p0 =	seq.s32 s5, $0x0;
	s5 =	sld [smem:$0x3FAF]  }
0x2b: {  	s6 =	sld [smem:$0x3FB0]  }
0x2c: {  	s7 =	sld [smem:$0x3FB1]  }
0x2d: {  	s3 =	simm.s32 $0x108;
	s8 =	sld [smem:$0x3FB2]  }
0x2e: {  	s3 =	simm.s32 @!p0 $0x1082;
	s9 =	sld [smem:$0x3FB3]  }
0x2f: {  	lr =	sadd.s32 s0, s3;
	s0 =	sld [smem:$0x3FAA]  }
0x30: {  	s3 =	sld [smem:$0x3FAD]  }
0x31: {  	[smem:$0x3FB6] =	sst s10  }
0x32: {  	s10 =	sld [smem:$0x3FB4];
	_ =	sdelay $0x3  }
0x33: {  	p0 =	seq.s32 s10, $0x1;
	s10 =	sld [smem:$0x3FB6];
	_ =	sdelay $0x3  }
0x34: {  	[smem:$0x3FB6] =	sst s10  }
0x35: {  	s10 =	sld [smem:$0x3FB5];
	_ =	sdelay $0x3  }
0x36: {  	p1 =	seq.s32 s10, $0x1;
	s10 =	sld [smem:$0x3FB6];
	_ =	sdelay $0x3  }
0x37: {  	[smem:$0x3FB6] =	sst s10  }
0x38: {  	s10 =	sld [smem:$0x3FB7]  }
0x39: {  	_ = 	snop;
	(pc) =	sbr.ind lr, $3  }
0x3a: {  	_ = 	snop  }
0x3b: {  	_ = 	snop  }
0x3c: {  	p2 =	seq.s32 s10, $0x1;
	s10 =	sld [smem:$0x3FB6]  }
0x3d: {  	_ =	shalt  }
0x3e: {  	_ =	shalt  }
0x3f: {  	_ =	shalt  }
0x40: {  	_ =	shalt  }
0x41: {  	_ =	shalt  }
0x42: {  	_ =	shalt  }
0x43: {  	_ =	shalt  }
0x44: {  	_ =	shalt  }
0x45: {  	_ =	shalt  }
0x46: {  	_ =	shalt  }
0x47: {  	_ =	shalt  }
0x48: {  	_ =	shalt  }
0x49: {  	_ =	shalt  }
0x4a: {  	_ =	shalt  }
0x4b: {  	_ =	shalt  }
0x4c: {  	_ =	shalt  }
0x4d: {  	_ =	shalt  }
0x4e: {  	_ =	shalt  }
0x4f: {  	_ =	shalt  }
0x50: {  	_ =	shalt  }
0x51: {  	_ =	shalt  }
0x52: {  	_ =	shalt  }
0x53: {  	_ =	shalt  }
0x54: {  	_ =	shalt  }
0x55: {  	_ =	shalt  }
0x56: {  	_ =	shalt  }
0x57: {  	_ =	shalt  }
0x58: {  	_ =	shalt  }
0x59: {  	_ =	shalt  }
0x5a: {  	_ =	shalt  }
0x5b: {  	_ =	shalt  }
0x5c: {  	_ =	shalt  }
0x5d: {  	_ =	shalt  }
0x5e: {  	_ =	shalt  }
0x5f: {  	_ =	shalt  }
0x60: {  	_ =	shalt  }
0x61: {  	_ =	shalt  }
0x62: {  	_ =	shalt  }
0x63: {  	_ =	shalt  }
0x64: {  	_ =	shalt  }
0x65: {  	_ =	shalt  }
0x66: {  	_ =	shalt  }
0x67: {  	_ =	shalt  }
0x68: {  	_ =	shalt  }
0x69: {  	_ =	shalt  }
0x6a: {  	_ =	shalt  }
0x6b: {  	_ =	shalt  }
0x6c: {  	_ =	shalt  }
0x6d: {  	_ =	shalt  }
0x6e: {  	_ =	shalt  }
0x6f: {  	_ =	shalt  }
0x70: {  	_ =	shalt  }
0x71: {  	_ =	shalt  }
0x72: {  	_ =	shalt  }
0x73: {  	_ =	shalt  }
0x74: {  	_ =	shalt  }
0x75: {  	_ =	shalt  }
0x76: {  	_ =	shalt  }
0x77: {  	_ =	shalt  }
0x78: {  	_ =	shalt  }
0x79: {  	_ =	shalt  }
0x7a: {  	_ =	shalt  }
0x7b: {  	_ =	shalt  }
0x7c: {  	_ =	shalt  }
0x7d: {  	_ =	shalt  }
0x7e: {  	_ =	shalt  }
0x7f: {  	_ =	shalt  }
0x80: {  	_ =	shalt  }
0x81: {  	_ =	shalt  }
0x82: {  	_ =	shalt  }
0x83: {  	_ =	shalt  }
0x84: {  	_ =	shalt  }
0x85: {  	_ =	shalt  }
0x86: {  	_ =	shalt  }
0x87: {  	_ =	shalt  }
.Lfunc_end0:
.L_simem_size_0:
called_computation_lowered:
.L_overlay_start_0:
0x88: {  	s2 =	sld [smem:$0x3FD9]  }
0x89: {  	s3 =	sld [smem:$0x3FFE];
	_ =	sdelay $0x1  }
0x8a: {  	s1 =	srdreg.scid  }
0x8b: {  	s0 =	sand.u32 $0x1, s1  }
0x8c: {  	s17 =	sshll.u32 s0, $0xA;
	s2 =	sadd.s32 s3, s2  }
0x8d: {  	s2 =	sadd.s32 s2, s17  }
0x8e: {  	[smem:$0x3FC2] =	sst s2  }
0x8f: {  	_ = 	snop  }
0x90: {  	s2 =	sld [smem:$0x3FC9]  }
0x91: {  	s18 =	sld [smem:$0x3FC7];
	(tm) =	ssettm $0x1  }
0x92: {  	s4 =	sld [smem:$0x3FFB];
	_ =	sdelay $0x3  }
0x93: {  	_ =	strace s4  }
0x94: {  	s4 =	sld [smem:$0x3FFC];
	_ =	sdelay $0x3  }
0x95: {  	_ =	strace s4  }
0x96: {  	s4 =	sld [smem:$0x3FFD];
	_ =	sdelay $0x3  }
0x97: {  	_ =	strace s4  }
0x98: {  	_ =	strace $0x8FFFFFFF  }
0x99: {  	s19 =	sld [smem:$0x3FDB];
	_ =	sdelay $0x1  }
0x9a: {  	s5 =	simm.s32 $_scs_section_size  }
0x9b: {  	s6 =	simm.s32 $_size__tile_overlayer_lowered;
	s7 =	simm.s32 $_tile_overlayer_lowered  }
0x9c: {  	s22 =	simm.s32 $0x1BFF;
	s21 =	sshll.u32 s7, $0x1;
	s4 =	sadd.s32 s5, s19  }
0x9d: {  	s8 =	simm.s32 $0x0;
	s20 =	sshll.u32 s6, $0x1;
	s6 =	sadd.s32 s21, s4  }
0x9e: {  	[timem:s8], [sflag:s22] =	dma.local [hbm:s6], s20  }
0x9f: {  	_ =	swait.ge [sflag:s22], s20  }
0xa0: {  	s5 =	ssub.s32 $0x0, s20;
	[sflag:s22] =	ssyncset.done $0x0  }
0xa1: {  	[sflag:s22] =	ssyncadd.s32 s5;
	_ =	sdelay $0x1  }
0xa2: {  	s23 =	simm.s32 $0x1B8B  }
0xa3: {  	_ =	swait.ge [sflag:s23], $0x1  }
0xa4: {  	[sflag:s23] =	ssyncset.done $0x0  }
0xa5: {  	s25 =	simm.s32 $0x1B8E;
	s24 =	sld [smem:$0x3FFE];
	[sflag:s23] =	ssyncadd.s32 $0xFFFFFFFF  }
0xa6: {  	s26 =	simm.s32 $execute0_lowered;
	[smem:$0x3FD2] =	sst s25  }
0xa7: {  	s6 =	sshll.u32 s26, $0x1;
	_ =	strace $0x80000046;
	[dreg:$0x1] =	wrdreg $0xFFFFFFFF  }
0xa8: {  	s28 =	simm.s32 $_size_execute0_lowered;
	s4 =	sadd.s32 s4, s6;
	[dreg:$0x0] =	wrdreg $0x0  }
0xa9: {  	s6 =	sshll.u32 s28, $0x1;
	[dreg:$0x2] =	wrdreg s4  }
0xaa: {  	[dreg:$0x3] =	wrdreg s6  }
0xab: {  	[dreg:$0x4] =	wrdreg $0xC0  }
0xac: {  	_ =	task [dreg:s8], $0x5FFFF  }
0xad: {  	[dreg:$0x1] =	wrdreg $0xFFFFFFFF  }
0xae: {  	[dreg:$0x0] =	wrdreg $0x60  }
0xaf: {  	[dreg:$0x2] =	wrdreg s2  }
0xb0: {  	[dreg:$0x3] =	wrdreg s18  }
0xb1: {  	[dreg:$0x4] =	wrdreg s24  }
0xb2: {  	[dreg:$0x5] =	wrdreg $0x9  }
0xb3: {  	_ =	task.clear_ibuf [dreg:s8], $0x6FFFF;
	_ =	strace $0x90000046  }
0xb4: {  	s29 =	simm.s32 $0x9;
	_ =	strace $0x80000048  }
0xb5: {  	_ =	swait.ge [sflag:s29], $0x1  }
0xb6: {  	[sflag:s29] =	ssyncadd.s32 $0xFFFFFFFF  }
0xb7: {  	_ =	strace $0x90000048  }
0xb8: {  	_ =	sfence  }
0xb9: {  	s30 =	sld [smem:$0x0];
	_ =	sdelay $0x2  }
0xba: {  	s31 =	sshll.u32 s1, $0xD;
	s1 =	sshrl.u32 s1, $0x2  }
0xbb: {  	s3 =	sand.u32 $0x4000, s31;
	s1 =	sadd.s32 s1, s30  }
0xbc: {  	s0 =	sor.u32 s3, s0;
	s1 =	sshll.u32 s1, $0x11  }
0xbd: {  	s0 =	sor.u32 s1, s0  }
0xbe: {  	s0 =	sadd.s32 $0x8F2B, s0  }
0xbf: {  	[sflag:s0] =	ssyncadd.remote.s32 $0x1  }
0xc0: {  	_ =	sfence.sel $0xFFFF  }
0xc1: {  	[dreg:$0x0] =	wrdreg $0xFFFFFFFF;
	(pc) =	sbr.abs _section_cstart, $3  }
0xc2: {  	[dreg:$0x1] =	wrdreg $0xFFFFFFFF  }
0xc3: {  	_ =	task.clear_ibuf [dreg:s8], $0x2FFFF;
	_ =	strace $0x9FFFFFFF  }
0xc4: {  	(tm) =	ssettm $0x7FFFFFFF  }
0xc5: {  	_ =	shalt  }
tec
execute0_lowered:
.L_overlay_start_1:
0x0: {  	(tag) =	ssettag $0x1  }
0x1: {  	s1 =	rddreg [dreg:$0x0]  }
0x2: {  	s0 =	rddreg [dreg:$0x1];
	s3 =	stileid.u32  }
0x3: {  	s4 =	rddreg [dreg:$0x2];
	s5 =	sshll.u32 s3, $0x1;
	s3 =	simm.s32 $0x0  }
0x4: {  	s15 =	sadd.s32 $0x100, s1;
	[smem:$0x7FF] =	sst s3  }
0x5: {  	s17 =	sadd.s32 $0x200, s1;
	_ =	strace $0x80000047;
	[dreg:$0x17] =	wrdreg s15  }
0x6: {  	s18 =	sadd.s32 $0x300, s1;
	[dreg:$0x18] =	wrdreg s17  }
0x7: {  	s19 =	sadd.s32 $0x400, s1;
	[dreg:$0x19] =	wrdreg s18  }
0x8: {  	s2 =	srdreg.scid;
	s20 =	sadd.s32 $0x500, s1;
	[dreg:$0x1a] =	wrdreg s19  }
0x9: {  	s25 =	simm.s32 $0x8880;
	s22 =	sadd.s32 $0x600, s1;
	[dreg:$0x1b] =	wrdreg s20  }
0xa: {  	s11 =	simm.s32 $0xA880;
	s24 =	sadd.s32 $0x700, s1;
	[dreg:$0x1c] =	wrdreg s22  }
0xb: {  	s12 =	simm.s32 $0xB080;
	s26 =	sadd.s32 $0x800, s1;
	[dreg:$0x1d] =	wrdreg s24  }
0xc: {  	s13 =	simm.s32 $0xB880;
	s2 =	sand.u32 $0x1, s2;
	[dreg:$0x1e] =	wrdreg s26  }
0xd: {  	s30 =	simm.s32 $0x3;
	s5 =	sor.u32 s2, s5;
	[dreg:$0x8] =	wrdreg s25  }
0xe: {  	s28 =	simm.s32 $0x2880;
	s6 =	smul.u32 $0x3, s5;
	[dreg:$0xc] =	wrdreg s11  }
0xf: {  	s29 =	simm.s32 $0x3880;
	s7 =	smul.u32 $0x18000, s5;
	[dreg:$0xd] =	wrdreg s12  }
0x10: {  	s16 =	smul.u32 $0x3000, s5;
	s5 =	simm.s32 $0x9080;
	[dreg:$0xe] =	wrdreg s13  }
0x11: {  	s31 =	simm.s32 $0x4080;
	s15 =	simm.s32 $0xC880;
	[dreg:$0x9] =	wrdreg s5  }
0x12: {  	s8 =	sadd.s32 $0x1A00, s4;
	s20 =	simm.s32 $0xD080;
	[dreg:$0x10] =	wrdreg s15  }
0x13: {  	s4 =	simm.s32 $0x80;
	s22 =	simm.s32 $0xE080;
	[dreg:$0x11] =	wrdreg s20  }
0x14: {  	s2 =	ssub.s32 $0x2, s2;
	s24 =	simm.s32 $0xE880;
	[dreg:$0x13] =	wrdreg s22  }
0x15: {  	s14 =	sshrl.u32 s2, $0x1;
	s25 =	simm.s32 $0xF080;
	[dreg:$0x14] =	wrdreg s24  }
0x16: {  	s17 =	sadd.s32 $0xE00, s1;
	s26 =	simm.s32 $0xF880;
	[dreg:$0x15] =	wrdreg s25  }
0x17: {  	s2 =	ssub.s32 s2, s14;
	s14 =	simm.s32 $0xC080;
	[dreg:$0x16] =	wrdreg s26  }
0x18: {  	s18 =	sadd.s32 $0xF00, s1;
	s0 =	sadd.s32 s0, s6;
	[dreg:$0xf] =	wrdreg s14  }
0x19: {  	s26 =	simm.s32 $0x1;
	s6 =	sadd.s32 $0x900, s1;
	[dreg:$0x4] =	wrdreg s0  }
0x1a: {  	s9 =	sshrl.u32 s7, $0x3;
	s7 =	simm.s32 $0x9880;
	[dreg:$0x1f] =	wrdreg s6  }
0x1b: {  	s24 =	simm.s32 $0x1880;
	s0 =	sadd.s32 s8, s16;
	[dreg:$0xa] =	wrdreg s7  }
0x1c: {  	s10 =	sadd.s32 s8, s9;
	s8 =	sadd.s32 $0xA00, s1;
	[dreg:$0x5] =	wrdreg s0  }
0x1d: {  	s25 =	simm.s32 $0x2080;
	s9 =	simm.s32 $0xA080;
	[smem:$0x7FC] =	sst s8  }
0x1e: {  	s22 =	simm.s32 $0x5880;
	s21 =	sadd.s32 $0x1000, s10;
	[dreg:$0xb] =	wrdreg s9  }
0x1f: {  	s15 =	simm.s32 $0x8080;
	s23 =	sadd.s32 $0x2000, s10;
	[dreg:$0x6] =	wrdreg s21  }
0x20: {  	v0 =	vlaneseq.u32;
	s19 =	smax.u32 s2, $0x1;
	s10 =	sadd.s32 $0xB00, s1;
	[dreg:$0x7] =	wrdreg s23  }
0x21: {  	v1 =	vshrl.u32 v0, $0x3;
	s16 =	sadd.s32 $0xD00, s1;
	[smem:$0x7FD] =	sst s10;
	s21 =	simm.s32 $0xD880  }
0x22: {  	vm0 =	vmmov $0xffff;
	v0 =	vand.u32 $0x7, v0;
	v1 =	vmul.u32 $0x8, v1;
	s23 =	sadd.s32 $0xC00, s1;
	[dreg:$0x12] =	wrdreg s21;
	s21 =	simm.s32 $0x5080  }
.LBB2_1:
0x23: {  	s2 =	rddreg [dreg:$0x4];
	s0 =	simm.s32 $0x5  }
0x24: {  	[tilespmem:s3], [sflag:$0x5] =	stream.linear.gather [hbm4b:s2+s3], $0x18, $0x38;
	[tilespmem:$0x10080] =	vst v63  }
0x25: {  	_ =	swait.ge [sflag:s0], $0x18  }
0x26: {  	[sflag:s0] =	ssyncset.done $0x0  }
0x27: {  	[sflag:s0] =	ssyncadd.s32 $0xFFFFFFE8  }
0x28: {  	v2 =	vld.msk [tilespmem:$0x0], $0xff;
	_ =	sdelay $0x4  }
0x29: {  	v3 =	vshll.u32 v2, $0x5  }
0x2a: {  	v2 =	vand.u32 $0x7, v2;
	v3 =	vand.u32 $0xFFFFFF00, v3  }
0x2b: {  	v2 =	vor.u32 v2, v3  }
0x2c: {  	v2 =	vperm.xlane v2, v0;
	_ =	sdelay $0x1  }
0x2d: {  	v2 =	vadd.s32 v1, v2;
	_ =	sdelay $0x2  }
0x2e: {  	s5 =	rddreg [dreg:$0x17]  }
0x2f: {  	s20 =	rddreg [dreg:$0x0]  }
0x30: {  	[tilespmem:s4], [sflag:$0x1] =	stream.indirect_vreg.gather [hbm4b:s20+s3], $0x80, v2, vm0, $0xb8;
	[tilespmem:$0x10080] =	vst v63  }
0x31: {  	s12 =	simm.s32 $0x880;
	s6 =	rddreg [dreg:$0x18]  }
0x32: {  	[tilespmem:s12], [sflag:$0x1] =	stream.indirect_vreg.gather [hbm4b:s5+s3], $0x80, v2, vm0, $0xb8;
	[tilespmem:$0x10080] =	vst v63  }
0x33: {  	s13 =	simm.s32 $0x1080;
	s7 =	rddreg [dreg:$0x19]  }
0x34: {  	[tilespmem:s13], [sflag:$0x1] =	stream.indirect_vreg.gather [hbm4b:s6+s3], $0x80, v2, vm0, $0xb8;
	[tilespmem:$0x10080] =	vst v63  }
0x35: {  	s8 =	rddreg [dreg:$0x1a]  }
0x36: {  	[tilespmem:s24], [sflag:$0x1] =	stream.indirect_vreg.gather [hbm4b:s7+s3], $0x80, v2, vm0, $0xb8;
	[tilespmem:$0x10080] =	vst v63  }
0x37: {  	s9 =	rddreg [dreg:$0x1b]  }
0x38: {  	[tilespmem:s25], [sflag:$0x1] =	stream.indirect_vreg.gather [hbm4b:s8+s3], $0x80, v2, vm0, $0xb8;
	[tilespmem:$0x10080] =	vst v63  }
0x39: {  	s10 =	rddreg [dreg:$0x1c]  }
0x3a: {  	[tilespmem:s28], [sflag:$0x1] =	stream.indirect_vreg.gather [hbm4b:s9+s3], $0x80, v2, vm0, $0xb8;
	[tilespmem:$0x10080] =	vst v63  }
0x3b: {  	s14 =	simm.s32 $0x3080;
	s11 =	rddreg [dreg:$0x1d]  }
0x3c: {  	[tilespmem:s14], [sflag:$0x1] =	stream.indirect_vreg.gather [hbm4b:s10+s3], $0x80, v2, vm0, $0xb8;
	[tilespmem:$0x10080] =	vst v63  }
0x3d: {  	s12 =	rddreg [dreg:$0x1e]  }
0x3e: {  	[tilespmem:s29], [sflag:$0x1] =	stream.indirect_vreg.gather [hbm4b:s11+s3], $0x80, v2, vm0, $0xb8;
	[tilespmem:$0x10080] =	vst v63  }
0x3f: {  	s13 =	rddreg [dreg:$0x1f]  }
0x40: {  	[tilespmem:s31], [sflag:$0x1] =	stream.indirect_vreg.gather [hbm4b:s12+s3], $0x80, v2, vm0, $0xb8;
	[tilespmem:$0x10080] =	vst v63  }
0x41: {  	s1 =	simm.s32 $0x4880;
	s14 =	sld [smem:$0x7FC]  }
0x42: {  	[tilespmem:s1], [sflag:$0x1] =	stream.indirect_vreg.gather [hbm4b:s13+s3], $0x80, v2, vm0, $0xb8;
	[tilespmem:$0x10080] =	vst v63  }
0x43: {  	s1 =	sld [smem:$0x7FD]  }
0x44: {  	[tilespmem:s21], [sflag:$0x1] =	stream.indirect_vreg.gather [hbm4b:s14+s3], $0x80, v2, vm0, $0xb8;
	[tilespmem:$0x10080] =	vst v63  }
0x45: {  	_ = 	snop  }
0x46: {  	[tilespmem:s22], [sflag:$0x1] =	stream.indirect_vreg.gather [hbm4b:s1+s3], $0x80, v2, vm0, $0xb8;
	[tilespmem:$0x10080] =	vst v63  }
0x47: {  	s2 =	simm.s32 $0x6080  }
0x48: {  	[tilespmem:s2], [sflag:$0x1] =	stream.indirect_vreg.gather [hbm4b:s23+s3], $0x80, v2, vm0, $0xb8;
	[tilespmem:$0x10080] =	vst v63  }
0x49: {  	s2 =	simm.s32 $0x6880  }
0x4a: {  	[tilespmem:s2], [sflag:$0x1] =	stream.indirect_vreg.gather [hbm4b:s16+s3], $0x80, v2, vm0, $0xb8;
	[tilespmem:$0x10080] =	vst v63  }
0x4b: {  	s2 =	simm.s32 $0x7080  }
0x4c: {  	[tilespmem:s2], [sflag:$0x1] =	stream.indirect_vreg.gather [hbm4b:s17+s3], $0x80, v2, vm0, $0xb8;
	[tilespmem:$0x10080] =	vst v63  }
0x4d: {  	s2 =	simm.s32 $0x7880  }
0x4e: {  	[tilespmem:s2], [sflag:$0x1] =	stream.indirect_vreg.gather [hbm4b:s18+s3], $0x80, v2, vm0, $0xb8;
	[tilespmem:$0x10080] =	vst v63  }
0x4f: {  	_ =	swait.ge [sflag:s26], $0x8000  }
0x50: {  	[sflag:s26] =	ssyncset.done $0x0  }
0x51: {  	[sflag:s26] =	ssyncadd.s32 $0xFFFF8000  }
0x52: {  	v2 =	vld.msk [tilespmem:$0x8], $0xff;
	_ =	sdelay $0x4  }
0x53: {  	v3 =	vshll.u32 v2, $0x5  }
0x54: {  	v2 =	vand.u32 $0x7, v2;
	v3 =	vand.u32 $0xFFFFFF00, v3  }
0x55: {  	v2 =	vor.u32 v2, v3  }
0x56: {  	v2 =	vperm.xlane v2, v0;
	_ =	sdelay $0x1  }
0x57: {  	v2 =	vadd.s32 v1, v2;
	_ =	sdelay $0x4  }
0x58: {  	[tilespmem:s15], [sflag:$0x2] =	stream.indirect_vreg.gather [hbm4b:s20+s3], $0x80, v2, vm0, $0xb8;
	[tilespmem:$0x10080] =	vst v63  }
0x59: {  	s2 =	rddreg [dreg:$0x8]  }
0x5a: {  	[tilespmem:s2], [sflag:$0x2] =	stream.indirect_vreg.gather [hbm4b:s5+s3], $0x80, v2, vm0, $0xb8;
	[tilespmem:$0x10080] =	vst v63  }
0x5b: {  	s0 =	rddreg [dreg:$0x9]  }
0x5c: {  	[tilespmem:s0], [sflag:$0x2] =	stream.indirect_vreg.gather [hbm4b:s6+s3], $0x80, v2, vm0, $0xb8;
	[tilespmem:$0x10080] =	vst v63  }
0x5d: {  	s2 =	rddreg [dreg:$0xa]  }
0x5e: {  	[tilespmem:s2], [sflag:$0x2] =	stream.indirect_vreg.gather [hbm4b:s7+s3], $0x80, v2, vm0, $0xb8;
	[tilespmem:$0x10080] =	vst v63  }
0x5f: {  	s0 =	rddreg [dreg:$0xb]  }
0x60: {  	[tilespmem:s0], [sflag:$0x2] =	stream.indirect_vreg.gather [hbm4b:s8+s3], $0x80, v2, vm0, $0xb8;
	[tilespmem:$0x10080] =	vst v63  }
0x61: {  	s2 =	rddreg [dreg:$0xc]  }
0x62: {  	[tilespmem:s2], [sflag:$0x2] =	stream.indirect_vreg.gather [hbm4b:s9+s3], $0x80, v2, vm0, $0xb8;
	[tilespmem:$0x10080] =	vst v63  }
0x63: {  	s0 =	rddreg [dreg:$0xd]  }
0x64: {  	[tilespmem:s0], [sflag:$0x2] =	stream.indirect_vreg.gather [hbm4b:s10+s3], $0x80, v2, vm0, $0xb8;
	[tilespmem:$0x10080] =	vst v63  }
0x65: {  	s2 =	rddreg [dreg:$0xe]  }
0x66: {  	[tilespmem:s2], [sflag:$0x2] =	stream.indirect_vreg.gather [hbm4b:s11+s3], $0x80, v2, vm0, $0xb8;
	[tilespmem:$0x10080] =	vst v63  }
0x67: {  	s0 =	rddreg [dreg:$0xf]  }
0x68: {  	[tilespmem:s0], [sflag:$0x2] =	stream.indirect_vreg.gather [hbm4b:s12+s3], $0x80, v2, vm0, $0xb8;
	[tilespmem:$0x10080] =	vst v63  }
0x69: {  	s2 =	rddreg [dreg:$0x10]  }
0x6a: {  	[tilespmem:s2], [sflag:$0x2] =	stream.indirect_vreg.gather [hbm4b:s13+s3], $0x80, v2, vm0, $0xb8;
	[tilespmem:$0x10080] =	vst v63  }
0x6b: {  	s0 =	rddreg [dreg:$0x11]  }
0x6c: {  	[tilespmem:s0], [sflag:$0x2] =	stream.indirect_vreg.gather [hbm4b:s14+s3], $0x80, v2, vm0, $0xb8;
	[tilespmem:$0x10080] =	vst v63  }
0x6d: {  	s2 =	rddreg [dreg:$0x12]  }
0x6e: {  	[tilespmem:s2], [sflag:$0x2] =	stream.indirect_vreg.gather [hbm4b:s1+s3], $0x80, v2, vm0, $0xb8;
	[tilespmem:$0x10080] =	vst v63  }
0x6f: {  	s0 =	rddreg [dreg:$0x13]  }
0x70: {  	[tilespmem:s0], [sflag:$0x2] =	stream.indirect_vreg.gather [hbm4b:s23+s3], $0x80, v2, vm0, $0xb8;
	[tilespmem:$0x10080] =	vst v63  }
0x71: {  	s2 =	rddreg [dreg:$0x14]  }
0x72: {  	[tilespmem:s2], [sflag:$0x2] =	stream.indirect_vreg.gather [hbm4b:s16+s3], $0x80, v2, vm0, $0xb8;
	[tilespmem:$0x10080] =	vst v63  }
0x73: {  	s0 =	rddreg [dreg:$0x15]  }
0x74: {  	[tilespmem:s0], [sflag:$0x2] =	stream.indirect_vreg.gather [hbm4b:s17+s3], $0x80, v2, vm0, $0xb8;
	[tilespmem:$0x10080] =	vst v63  }
0x75: {  	s2 =	rddreg [dreg:$0x16]  }
0x76: {  	[tilespmem:s2], [sflag:$0x2] =	stream.indirect_vreg.gather [hbm4b:s18+s3], $0x80, v2, vm0, $0xb8;
	[tilespmem:$0x10080] =	vst v63  }
0x77: {  	s0 =	rddreg [dreg:$0x5];
	s2 =	simm.s32 $0x2  }
0x78: {  	[hbm4b:s0+s3] =	stream.linear.scatter [tilespmem:s4], [sflag:$0x3], $0x8000, $0x38;
	[tilespmem:$0x10080] =	vst v63  }
0x79: {  	_ =	swait.ge [sflag:s2], $0x8000  }
0x7a: {  	[sflag:s2] =	ssyncset.done $0x0  }
0x7b: {  	[sflag:s2] =	ssyncadd.s32 $0xFFFF8000  }
0x7c: {  	_ =	swait.ge [sflag:s30], $0x8000  }
0x7d: {  	[sflag:s30] =	ssyncset.done $0x0  }
0x7e: {  	[sflag:s30] =	ssyncadd.s32 $0xFFFF8000  }
0x7f: {  	v2 =	vld.msk [tilespmem:$0x10], $0xff;
	_ =	sdelay $0x4  }
0x80: {  	v3 =	vshll.u32 v2, $0x5  }
0x81: {  	v2 =	vand.u32 $0x7, v2;
	v3 =	vand.u32 $0xFFFFFF00, v3  }
0x82: {  	v2 =	vor.u32 v2, v3  }
0x83: {  	v2 =	vperm.xlane v2, v0;
	_ =	sdelay $0x1  }
0x84: {  	v2 =	vadd.s32 v1, v2;
	_ =	sdelay $0x4  }
0x85: {  	[tilespmem:s4], [sflag:$0x1] =	stream.indirect_vreg.gather [hbm4b:s20+s3], $0x80, v2, vm0, $0xb8;
	[tilespmem:$0x10080] =	vst v63  }
0x86: {  	s2 =	simm.s32 $0x880  }
0x87: {  	[tilespmem:s2], [sflag:$0x1] =	stream.indirect_vreg.gather [hbm4b:s5+s3], $0x80, v2, vm0, $0xb8;
	[tilespmem:$0x10080] =	vst v63  }
0x88: {  	s5 =	simm.s32 $0x1080  }
0x89: {  	[tilespmem:s5], [sflag:$0x1] =	stream.indirect_vreg.gather [hbm4b:s6+s3], $0x80, v2, vm0, $0xb8;
	[tilespmem:$0x10080] =	vst v63  }
0x8a: {  	_ = 	snop  }
0x8b: {  	[tilespmem:s24], [sflag:$0x1] =	stream.indirect_vreg.gather [hbm4b:s7+s3], $0x80, v2, vm0, $0xb8;
	[tilespmem:$0x10080] =	vst v63  }
0x8c: {  	_ = 	snop  }
0x8d: {  	[tilespmem:s25], [sflag:$0x1] =	stream.indirect_vreg.gather [hbm4b:s8+s3], $0x80, v2, vm0, $0xb8;
	[tilespmem:$0x10080] =	vst v63  }
0x8e: {  	_ = 	snop  }
0x8f: {  	[tilespmem:s28], [sflag:$0x1] =	stream.indirect_vreg.gather [hbm4b:s9+s3], $0x80, v2, vm0, $0xb8;
	[tilespmem:$0x10080] =	vst v63  }
0x90: {  	s7 =	simm.s32 $0x3080  }
0x91: {  	[tilespmem:s7], [sflag:$0x1] =	stream.indirect_vreg.gather [hbm4b:s10+s3], $0x80, v2, vm0, $0xb8;
	[tilespmem:$0x10080] =	vst v63  }
0x92: {  	_ = 	snop  }
0x93: {  	[tilespmem:s29], [sflag:$0x1] =	stream.indirect_vreg.gather [hbm4b:s11+s3], $0x80, v2, vm0, $0xb8;
	[tilespmem:$0x10080] =	vst v63  }
0x94: {  	_ = 	snop  }
0x95: {  	[tilespmem:s31], [sflag:$0x1] =	stream.indirect_vreg.gather [hbm4b:s12+s3], $0x80, v2, vm0, $0xb8;
	[tilespmem:$0x10080] =	vst v63  }
0x96: {  	s8 =	simm.s32 $0x4880  }
0x97: {  	[tilespmem:s8], [sflag:$0x1] =	stream.indirect_vreg.gather [hbm4b:s13+s3], $0x80, v2, vm0, $0xb8;
	[tilespmem:$0x10080] =	vst v63  }
0x98: {  	_ = 	snop  }
0x99: {  	[tilespmem:s21], [sflag:$0x1] =	stream.indirect_vreg.gather [hbm4b:s14+s3], $0x80, v2, vm0, $0xb8;
	[tilespmem:$0x10080] =	vst v63  }
0x9a: {  	_ = 	snop  }
0x9b: {  	[tilespmem:s22], [sflag:$0x1] =	stream.indirect_vreg.gather [hbm4b:s1+s3], $0x80, v2, vm0, $0xb8;
	[tilespmem:$0x10080] =	vst v63  }
0x9c: {  	s9 =	simm.s32 $0x6080  }
0x9d: {  	[tilespmem:s9], [sflag:$0x1] =	stream.indirect_vreg.gather [hbm4b:s23+s3], $0x80, v2, vm0, $0xb8;
	[tilespmem:$0x10080] =	vst v63  }
0x9e: {  	s10 =	simm.s32 $0x6880  }
0x9f: {  	[tilespmem:s10], [sflag:$0x1] =	stream.indirect_vreg.gather [hbm4b:s16+s3], $0x80, v2, vm0, $0xb8;
	[tilespmem:$0x10080] =	vst v63  }
0xa0: {  	s11 =	simm.s32 $0x7080  }
0xa1: {  	[tilespmem:s11], [sflag:$0x1] =	stream.indirect_vreg.gather [hbm4b:s17+s3], $0x80, v2, vm0, $0xb8;
	[tilespmem:$0x10080] =	vst v63  }
0xa2: {  	s13 =	simm.s32 $0x7880  }
0xa3: {  	[tilespmem:s13], [sflag:$0x1] =	stream.indirect_vreg.gather [hbm4b:s18+s3], $0x80, v2, vm0, $0xb8;
	[tilespmem:$0x10080] =	vst v63  }
0xa4: {  	s12 =	rddreg [dreg:$0x6]  }
0xa5: {  	[hbm4b:s12+s3] =	stream.linear.scatter [tilespmem:s15], [sflag:$0x4], $0x8000, $0x38;
	[tilespmem:$0x10080] =	vst v63  }
0xa6: {  	_ =	swait.ge [sflag:s26], $0x8000  }
0xa7: {  	[sflag:s26] =	ssyncset.done $0x0  }
0xa8: {  	s14 =	rddreg [dreg:$0x7];
	[sflag:s26] =	ssyncadd.s32 $0xFFFF8000  }
0xa9: {  	[hbm4b:s14+s3] =	stream.linear.scatter [tilespmem:s4], [sflag:$0x3], $0x8000, $0x38;
	[tilespmem:$0x10080] =	vst v63  }
0xaa: {  	p0 =	sne.s32 s19, $0x1;
	_ =	swait.ge [sflag:s30], $0x8000  }
.Ltmp0:
0xab: {  	[sflag:s30] =	ssyncset.done $0x0;
	(pc) =	sbr.rel @p0 .LBB2_1-.Ltmp0, $4  }
0xac: {  	s20 =	simm.s32 $0x4;
	[sflag:s30] =	ssyncadd.s32 $0xFFFF8000  }
0xad: {  	_ =	swait.ge [sflag:s20], $0x8000  }
0xae: {  	[sflag:s20] =	ssyncset.done $0x0  }
0xaf: {  	s19 =	sadd.s32 $0xFFFFFFFF, s19;
	[sflag:s20] =	ssyncadd.s32 $0xFFFF8000  }
0xb0: {  	_ =	sfence.sel $0x180000  }
0xb1: {  	[bflag:$0x0] =	sbarrier.arrive $0xFFFF  }
0xb2: {  	_ =	strace $0x90000047  }
0xb3: {  	s0 =	stileid.u32;
	[bflag:$0x2] =	sbarrier.arrive $0xFFFF  }
0xb4: {  	p0 =	sne.s32 s0, $0x0;
	s0 =	rddreg [dreg:$0x3]  }
0xb5: {  	s0 =	sadd.s32 @!p0 $0x100000, s0  }
0xb6: {  	[sflag:s0] =	ssyncadd.tile.s32 @!p0 $0x1;
	_ =	shalt  }
.Lfunc_end2:
_tile_overlayer_lowered:
.L_overlay_start_2:
0xb7: {  	(tag) =	ssettag $0x2  }
0xb8: {  	s0 =	rddreg [dreg:$0x0];
	s2 =	stileid.u32  }
0xb9: {  	s1 =	rddreg [dreg:$0x1];
	p0 =	sne.s32 s2, $0x0  }
0xba: {  	s3 =	rddreg [dreg:$0x2];
	[bflag:$0x3] =	sbarrier.arrive $0xFFFF;
	s2 =	simm.s32 @!p0 $0x1C05  }
0xbb: {  	[timem:s3], [sflag:s2] =	dma.local @!p0 [hbm:s0], s1  }
0xbc: {  	s0 =	simm.s32 @!p0 $0x5  }
0xbd: {  	_ =	swait.ge @!p0 [sflag:s0], s1  }
0xbe: {  	s1 =	ssub.s32 @!p0 $0x0, s1;
	[sflag:s0] =	ssyncset.done @!p0 $0x0  }
0xbf: {  	[sflag:s0] =	ssyncadd.s32 @!p0 s1  }
0xc0: {  	[bflag:$0x3] =	sbarrier.arrive $0xFFFF  }
0xc1: {  	_ =	shalt  }

</sc_bundles>
